<compile_context>
chip_gen: v7x
topology: tpu7x:2x2x1
jax: 0.10.2.dev20260603
libtpu: 0.0.44.dev20260713+nightly
codegen_flags: <defaults>
</compile_context>

<pallas_src>
import functools

import jax
import jax.numpy as jnp
from jax.experimental import pallas as pl
from jax.experimental.pallas import tpu as pltpu
from jax.experimental.pallas import tpu_sc as plsc

_TV = 8192
_K = 5
_KPAD = 8
_NEG = float("-inf")
_IMAX = 2**31 - 1


def _sim_topk_body(V, ts_ref, tsn_ref, lex_ref, sim_ref, idx_ref,
                   thr_ref, vals_ref):
    i = pl.program_id(0)
    B, TV = sim_ref.shape

    @pl.when(i == 0)
    def _init():
        thr_ref[...] = jnp.full(thr_ref.shape, _NEG, jnp.float32)
        vals_ref[...] = jnp.full(vals_ref.shape, _NEG, jnp.float32)
        idx_ref[...] = jnp.zeros(idx_ref.shape, jnp.int32)

    lex = lex_ref[...]
    dn = (((1,), (1,)), ((), ()))
    num = jax.lax.dot_general(ts_ref[...], lex, dn,
                              preferred_element_type=jnp.float32)
    ones_row = jnp.ones((1, lex.shape[1]), jnp.float32)
    n2 = jax.lax.dot_general(ones_row, lex * lex, dn,
                             preferred_element_type=jnp.float32,
                             precision=jax.lax.Precision.HIGHEST)
    denom = jnp.maximum(tsn_ref[...] * jnp.sqrt(n2), 1e-8)
    sim = num / denom
    sim_ref[...] = sim

    col = jax.lax.broadcasted_iota(jnp.int32, (B, TV), 1) + i * TV
    simm = jnp.where(col < V, sim, _NEG)
    tile_max = jnp.max(simm, axis=1, keepdims=True)

    def _commit(tile_v, tile_i):
        cand_v = jnp.concatenate([vals_ref[...]] + tile_v, axis=1)
        cand_i = jnp.concatenate([idx_ref[...]] + tile_i, axis=1)
        nv, ni = [], []
        for _ in range(_K):
            m = jnp.max(cand_v, axis=1, keepdims=True)
            am = jnp.min(jnp.where(cand_v == m, cand_i, _IMAX),
                         axis=1, keepdims=True)
            nv.append(m)
            ni.append(am)
            cand_v = jnp.where(cand_i == am, _NEG, cand_v)
        pad_v = jnp.full((B, _KPAD - _K), _NEG, jnp.float32)
        pad_i = jnp.zeros((B, _KPAD - _K), jnp.int32)
        vals_ref[...] = jnp.concatenate(nv + [pad_v], axis=1)
        idx_ref[...] = jnp.concatenate(ni + [pad_i], axis=1)
        thr_ref[...] = nv[_K - 1]

    @pl.when(jnp.any(tile_max > thr_ref[...]))
    def _merge():
        nch = TV // 128
        fv = simm[:, 0:128]
        fj = jnp.zeros((B, 128), jnp.int32)
        for j in range(1, nch):
            sl = simm[:, j * 128:(j + 1) * 128]
            upd = sl > fv
            fv = jnp.where(upd, sl, fv)
            fj = jnp.where(upd, j, fj)
        lane = jax.lax.broadcasted_iota(jnp.int32, (B, 128), 1)
        gidx = fj * 128 + lane + i * TV
        w, cv, ci = fv, [], []
        for _ in range(_K):
            m = jnp.max(w, axis=1, keepdims=True)
            am = jnp.min(jnp.where(w == m, gidx, _IMAX), axis=1,
                         keepdims=True)
            cv.append(m)
            ci.append(am)
            w = jnp.where(gidx == am, _NEG, w)
        cnt = jnp.sum(jnp.where(simm >= cv[_K - 1], 1.0, 0.0),
                      axis=1, keepdims=True)
        ok = jnp.all(cnt == 5.0)

        @pl.when(ok)
        def _fast():
            _commit(cv, ci)

        @pl.when(jnp.logical_not(ok))
        def _slow():
            v = simm
            tv, ti = [], []
            for _ in range(_K):
                m = jnp.max(v, axis=1, keepdims=True)
                am = jnp.min(jnp.where(v == m, col, _IMAX), axis=1,
                             keepdims=True)
                tv.append(m)
                ti.append(am)
                v = jnp.where(col == am, _NEG, v)
            _commit(tv, ti)


def _similarity_topk(ts, tsn, core_lexicon):
    B, D = ts.shape
    V = core_lexicon.shape[0]
    grid = pl.cdiv(V, _TV)
    return pl.pallas_call(
        functools.partial(_sim_topk_body, V),
        grid=(grid,),
        in_specs=[
            pl.BlockSpec((B, D), lambda i: (0, 0)),
            pl.BlockSpec((B, 1), lambda i: (0, 0)),
            pl.BlockSpec((_TV, D), lambda i: (i, 0)),
        ],
        out_specs=[
            pl.BlockSpec((B, _TV), lambda i: (0, i)),
            pl.BlockSpec((B, _KPAD), lambda i: (0, 0)),
        ],
        out_shape=[
            jax.ShapeDtypeStruct((B, V), jnp.float32),
            jax.ShapeDtypeStruct((B, _KPAD), jnp.int32),
        ],
        scratch_shapes=[
            pltpu.VMEM((B, 1), jnp.float32),
            pltpu.VMEM((B, _KPAD), jnp.float32),
        ],
        compiler_params=pltpu.CompilerParams(
            dimension_semantics=("arbitrary",)),
    )(ts, tsn, core_lexicon)


def _sc_gather(table, idx):
    info = plsc.get_sparse_core_info()
    NC, NS = info.num_cores, info.num_subcores
    Btot = idx.shape[0]
    D = table.shape[1]
    bpw = Btot // (NC * NS)
    mesh = plsc.VectorSubcoreMesh(core_axis_name="c", subcore_axis_name="s")

    @functools.partial(
        pl.kernel, mesh=mesh,
        out_type=jax.ShapeDtypeStruct((Btot, D), jnp.float32),
        scratch_types=[
            pltpu.VMEM((bpw,), jnp.int32),
            pltpu.VMEM((bpw, D), jnp.float32),
            pltpu.SemaphoreType.DMA,
        ],
    )
    def gk(table_hbm, idx_hbm, out_hbm, idx_v, rows_v, sem):
        wid = jax.lax.axis_index("s") * NC + jax.lax.axis_index("c")
        base = wid * bpw
        pltpu.sync_copy(idx_hbm.at[pl.ds(base, bpw)], idx_v)
        pltpu.async_copy(table_hbm.at[idx_v], rows_v, sem).wait()
        pltpu.sync_copy(rows_v, out_hbm.at[pl.ds(base, bpw)])

    return gk(table, idx)


def kernel(patch_embeddings, core_lexicon):
    B = patch_embeddings.shape[0]
    D = core_lexicon.shape[1]
    ts = jnp.mean(patch_embeddings, axis=1)
    tsn = jnp.linalg.norm(ts, axis=1)[:, None]
    similarity, idx8 = _similarity_topk(ts, tsn, core_lexicon)
    idx = idx8.reshape(-1)
    pair_view = core_lexicon.reshape(-1, 2 * D)
    rows2 = _sc_gather(pair_view, idx >> 1)
    rows = jnp.where((idx & 1)[:, None] == 1, rows2[:, D:], rows2[:, :D])
    top_k_lexicon = rows.reshape(B, _KPAD, D)[:, :_K, :]
    return (top_k_lexicon, similarity)

# --- scband reference (transcript-rebuilt; emitter-appended) ---
"""Pipeline reference for scband-reprogramming-layer-17626545783527 (READ-ONLY COPY).

The authoritative reference and input builder live on the scoring server;
editing this copy changes nothing except your own understanding.
"""

import jax, jax.numpy as jnp
import numpy as np

K = 5

def setup_inputs(seed: int = 0) -> dict:
    key = jax.random.key(seed)
    k1, k2 = jax.random.split(key)
    patch_embeddings = jax.random.normal(k1, (32, 200, 64), dtype=jnp.float32)
    core_lexicon = jax.random.normal(k2, (1000000, 64), dtype=jnp.float32)
    return {"patch_embeddings": patch_embeddings, "core_lexicon": core_lexicon}

def reference(patch_embeddings, core_lexicon):
    # torch.mean over L
    ts = jnp.mean(patch_embeddings, axis=1)  # [B, D]
    # F.cosine_similarity(ts[:,None,:], lex[None,:,:], dim=2) with eps=1e-8
    num = ts @ core_lexicon.T  # [B, V]
    ts_norm = jnp.linalg.norm(ts, axis=1)            # [B]
    lex_norm = jnp.linalg.norm(core_lexicon, axis=1)  # [V]
    denom = jnp.maximum(ts_norm[:, None] * lex_norm[None, :], 1e-8)
    similarity = num / denom  # [B, V]
    # topk over vocab dim
    _, top_k_indices = jax.lax.top_k(similarity, K)  # [B, K]
    # gather top-k lexicon rows
    top_k_lexicon = jnp.take(core_lexicon, top_k_indices, axis=0)  # [B, K, D]
    return (top_k_lexicon, similarity)

if __name__ == "__main__":
    import jax
    _d = setup_inputs()
    print(jax.jit(kernel)(*tuple(_d.values())))

</pallas_src>

<mosaic_0001>
#map = affine_map<(d0, d1) -> (0, 0)>
#map1 = affine_map<(d0, d1) -> (0)>
module attributes {stable_mosaic.version = 14 : i64} {
  func.func @gk(%arg0: i32, %arg1: i32, %arg2: memref<500000x128xf32, #tpu.memory_space<hbm>>, %arg3: memref<256xi32, #tpu.memory_space<hbm>>, %arg4: memref<256x128xf32, #tpu.memory_space<hbm>>, %arg5: memref<8xi32, #tpu.memory_space<vmem>>, %arg6: memref<8x128xf32, #tpu.memory_space<vmem>>, %arg7: memref<!tpu.dma_semaphore, #tpu.memory_space<semaphore_mem>>) attributes {dimension_semantics = [#tpu.dimension_semantics<core_parallel>, #tpu.dimension_semantics<subcore_parallel>], iteration_bounds = array<i64: 2, 16>, scalar_prefetch = 0 : i64, scratch_operands = 3 : i64, tpu.core_type = #tpu.core_type<sc_vector_subcore>, window_params = [{transform_indices = #map}, {transform_indices = #map1}, {transform_indices = #map}]} {
    %mul3A = arith.constant 2 : i32
    %mul3A_0 = arith.muli %arg1, %mul3A : i32
    %add3A = arith.addi %mul3A_0, %arg0 : i32
    %mul3A_1 = arith.constant 8 : i32
    %mul3A_2 = arith.muli %add3A, %mul3A_1 : i32
    "tpu.region"() ({
      %run_scoped3A = tpu.sem_alloc : memref<!tpu.dma_semaphore, #tpu.memory_space<semaphore_mem>>
      %dma_start3A_7 = tpu.memref_slice %arg3[%mul3A_2] : memref<256xi32, #tpu.memory_space<hbm>> -> memref<8xi32, #tpu.memory_space<hbm>>
      %dma_start3A_8 = tpu.memref_slice %arg3[%mul3A_2] : memref<256xi32, #tpu.memory_space<hbm>> -> memref<8xi32, #tpu.memory_space<hbm>>
      tpu.enqueue_dma source(%dma_start3A_8 : memref<8xi32, #tpu.memory_space<hbm>>) target(%arg5 : memref<8xi32, #tpu.memory_space<vmem>>) target_semaphore(%run_scoped3A : memref<!tpu.dma_semaphore, #tpu.memory_space<semaphore_mem>>)
      %dma_wait3A_9 = tpu.memref_slice %arg3[%mul3A_2] : memref<256xi32, #tpu.memory_space<hbm>> -> memref<8xi32, #tpu.memory_space<hbm>>
      %dma_wait3A_10 = tpu.memref_slice %arg3[%mul3A_2] : memref<256xi32, #tpu.memory_space<hbm>> -> memref<8xi32, #tpu.memory_space<hbm>>
      tpu.wait_dma2 semaphore(%run_scoped3A : memref<!tpu.dma_semaphore, #tpu.memory_space<semaphore_mem>>) src(%dma_wait3A_10 : memref<8xi32, #tpu.memory_space<hbm>>) dst(%arg5 : memref<8xi32, #tpu.memory_space<vmem>>)
      tpu.yield
    }) : () -> ()
    %dma_start3A = arith.constant 0 : i32
    %dma_start3A_3 = arith.constant 0 : i32
    %dma_start3A_4 = tpu.memref_slice %arg2[%dma_start3A, %dma_start3A_3] : memref<500000x128xf32, #tpu.memory_space<hbm>> -> memref<500000x128xf32, #tpu.memory_space<hbm>>
    tpu.enqueue_indirect_dma source(%dma_start3A_4 : memref<500000x128xf32, #tpu.memory_space<hbm>>) target(%arg6 : memref<8x128xf32, #tpu.memory_space<vmem>>) offsets(%arg5 : memref<8xi32, #tpu.memory_space<vmem>>) semaphore(%arg7 : memref<!tpu.dma_semaphore, #tpu.memory_space<semaphore_mem>>)
    %dma_wait3A = arith.constant 0 : i32
    %dma_wait3A_5 = arith.constant 0 : i32
    %dma_wait3A_6 = tpu.memref_slice %arg2[%dma_wait3A, %dma_wait3A_5] : memref<500000x128xf32, #tpu.memory_space<hbm>> -> memref<500000x128xf32, #tpu.memory_space<hbm>>
    tpu.wait_indirect_dma semaphore(%arg7 : memref<!tpu.dma_semaphore, #tpu.memory_space<semaphore_mem>>) src(%dma_wait3A_6 : memref<500000x128xf32, #tpu.memory_space<hbm>>) dst(%arg6 : memref<8x128xf32, #tpu.memory_space<vmem>>)
    "tpu.region"() ({
      %run_scoped3A = tpu.sem_alloc : memref<!tpu.dma_semaphore, #tpu.memory_space<semaphore_mem>>
      %dma_start3A_7 = arith.constant 0 : i32
      %dma_start3A_8 = tpu.memref_slice %arg4[%mul3A_2, %dma_start3A_7] : memref<256x128xf32, #tpu.memory_space<hbm>> -> memref<8x128xf32, #tpu.memory_space<hbm>>
      %dma_start3A_9 = arith.constant 0 : i32
      %dma_start3A_10 = tpu.memref_slice %arg4[%mul3A_2, %dma_start3A_9] : memref<256x128xf32, #tpu.memory_space<hbm>> -> memref<8x128xf32, #tpu.memory_space<hbm>>
      tpu.enqueue_dma source(%arg6 : memref<8x128xf32, #tpu.memory_space<vmem>>) target(%dma_start3A_10 : memref<8x128xf32, #tpu.memory_space<hbm>>) target_semaphore(%run_scoped3A : memref<!tpu.dma_semaphore, #tpu.memory_space<semaphore_mem>>)
      %dma_wait3A_11 = arith.constant 0 : i32
      %dma_wait3A_12 = tpu.memref_slice %arg4[%mul3A_2, %dma_wait3A_11] : memref<256x128xf32, #tpu.memory_space<hbm>> -> memref<8x128xf32, #tpu.memory_space<hbm>>
      %dma_wait3A_13 = arith.constant 0 : i32
      %dma_wait3A_14 = tpu.memref_slice %arg4[%mul3A_2, %dma_wait3A_13] : memref<256x128xf32, #tpu.memory_space<hbm>> -> memref<8x128xf32, #tpu.memory_space<hbm>>
      tpu.wait_dma2 semaphore(%run_scoped3A : memref<!tpu.dma_semaphore, #tpu.memory_space<semaphore_mem>>) src(%arg6 : memref<8x128xf32, #tpu.memory_space<vmem>>) dst(%dma_wait3A_14 : memref<8x128xf32, #tpu.memory_space<hbm>>)
      tpu.yield
    }) : () -> ()
    return
  }
}

module attributes {stable_mosaic.version = 14 : i64} {
  func.func @_sim_topk_body(%arg0: i32, %arg1: memref<32x64xf32, #tpu.memory_space<vmem>>, %arg2: memref<32x1xf32, #tpu.memory_space<vmem>>, %arg3: memref<8192x64xf32, #tpu.memory_space<vmem>>, %arg4: memref<32x8192xf32, #tpu.memory_space<vmem>>, %arg5: memref<32x8xi32, #tpu.memory_space<vmem>>, %arg6: memref<32x1xf32, #tpu.memory_space<vmem>>, %arg7: memref<32x8xf32, #tpu.memory_space<vmem>>) attributes {dimension_semantics = [#tpu.dimension_semantics<arbitrary>], iteration_bounds = array<i64: 123>, scalar_prefetch = 0 : i64, scratch_operands = 2 : i64, tpu.core_type = #tpu.core_type<tc>, window_params = [{pipeline_mode = #tpu.pipeline_mode<synchronous>, transform_indices = @transform_0, window_bounds = array<i64: 32, 64>}, {pipeline_mode = #tpu.pipeline_mode<synchronous>, transform_indices = @transform_1, window_bounds = array<i64: 32, 1>}, {transform_indices = @transform_2, window_bounds = array<i64: 8192, 64>}, {transform_indices = @transform_3, window_bounds = array<i64: 32, 8192>}, {pipeline_mode = #tpu.pipeline_mode<synchronous>, transform_indices = @transform_4, window_bounds = array<i64: 32, 8>}]} {
    %eq3A = arith.constant 0 : i32
    %eq3A_0 = arith.cmpi eq, %arg0, %eq3A : i32
    %convert_element_type3A = arith.extui %eq3A_0 : i1 to i32
    %cond3A = arith.constant 0 : i32
    %cond3A_1 = arith.cmpi ne, %convert_element_type3A, %cond3A : i32
    scf.if %cond3A_1 {
      %broadcast_in_dim3A_46 = arith.constant 0xFF800000 : f32
      %broadcast_in_dim3A_47 = vector.broadcast %broadcast_in_dim3A_46 : f32 to vector<32x1xf32>
      %swap3A_48 = arith.constant 0 : index
      %swap3A_49 = arith.constant 0 : index
      %swap3A_50 = vector.load %arg6[%swap3A_48, %swap3A_49] : memref<32x1xf32, #tpu.memory_space<vmem>>, vector<32x1xf32>
      tpu.vector_store %arg6[%swap3A_48, %swap3A_49], %broadcast_in_dim3A_47 {strides = array<i32>} : memref<32x1xf32, #tpu.memory_space<vmem>>, vector<32x1xf32>,
      %broadcast_in_dim3A_51 = arith.constant 0xFF800000 : f32
      %broadcast_in_dim3A_52 = vector.broadcast %broadcast_in_dim3A_51 : f32 to vector<32x8xf32>
      %swap3A_53 = arith.constant 0 : index
      %swap3A_54 = arith.constant 0 : index
      %swap3A_55 = vector.load %arg7[%swap3A_53, %swap3A_54] : memref<32x8xf32, #tpu.memory_space<vmem>>, vector<32x8xf32>
      tpu.vector_store %arg7[%swap3A_53, %swap3A_54], %broadcast_in_dim3A_52 {strides = array<i32>} : memref<32x8xf32, #tpu.memory_space<vmem>>, vector<32x8xf32>,
      %broadcast_in_dim3A_56 = arith.constant 0 : i32
      %broadcast_in_dim3A_57 = vector.broadcast %broadcast_in_dim3A_56 : i32 to vector<32x8xi32>
      %swap3A_58 = arith.constant 0 : index
      %swap3A_59 = arith.constant 0 : index
      %swap3A_60 = vector.load %arg5[%swap3A_58, %swap3A_59] : memref<32x8xi32, #tpu.memory_space<vmem>>, vector<32x8xi32>
      tpu.vector_store %arg5[%swap3A_58, %swap3A_59], %broadcast_in_dim3A_57 {strides = array<i32>} : memref<32x8xi32, #tpu.memory_space<vmem>>, vector<32x8xi32>,
    } else {
    }
    %get3A = arith.constant 0 : index
    %get3A_2 = arith.constant 0 : index
    %get3A_3 = vector.load %arg3[%get3A, %get3A_2] : memref<8192x64xf32, #tpu.memory_space<vmem>>, vector<8192x64xf32>
    %get3A_4 = arith.constant 0 : index
    %get3A_5 = arith.constant 0 : index
    %get3A_6 = vector.load %arg1[%get3A_4, %get3A_5] : memref<32x64xf32, #tpu.memory_space<vmem>>, vector<32x64xf32>
    %dot_general3A = arith.constant dense<0.000000e+00> : vector<32x8192xf32>
    %dot_general3A_7 = tpu.matmul %get3A_6, %get3A_3, %dot_general3A {dimension_numbers = #tpu.dot_dimension_numbers<[1], [1], [0], [0], [0, 0, 1, 0], [], []>, transpose_lhs_hint = false} : vector<32x64xf32>, vector<8192x64xf32>, vector<32x8192xf32> -> vector<32x8192xf32>
    %broadcast_in_dim3A = arith.constant 1.000000e+00 : f32
    %broadcast_in_dim3A_8 = vector.broadcast %broadcast_in_dim3A : f32 to vector<1x64xf32>
    %mul3A = arith.mulf %get3A_3, %get3A_3 : vector<8192x64xf32>
    %dot_general3A_9 = arith.constant dense<0.000000e+00> : vector<1x8192xf32>
    %dot_general3A_10 = tpu.matmul %broadcast_in_dim3A_8, %mul3A, %dot_general3A_9 {dimension_numbers = #tpu.dot_dimension_numbers<[1], [1], [0], [0], [0, 0, 1, 0], [], []>, precision = #tpu.contract_precision<fp32>, transpose_lhs_hint = false} : vector<1x64xf32>, vector<8192x64xf32>, vector<1x8192xf32> -> vector<1x8192xf32>
    %get3A_11 = arith.constant 0 : index
    %get3A_12 = arith.constant 0 : index
    %get3A_13 = vector.load %arg2[%get3A_11, %get3A_12] : memref<32x1xf32, #tpu.memory_space<vmem>>, vector<32x1xf32>
    %sqrt3A = math.sqrt %dot_general3A_10 : vector<1x8192xf32>
    %mul3A_14 = vector.broadcast %get3A_13 : vector<32x1xf32> to vector<32x8192xf32>
    %mul3A_15 = vector.broadcast %sqrt3A : vector<1x8192xf32> to vector<32x8192xf32>
    %mul3A_16 = arith.mulf %mul3A_14, %mul3A_15 : vector<32x8192xf32>
    %max3A = arith.constant 9.99999993E-9 : f32
    %max3A_17 = vector.broadcast %max3A : f32 to vector<32x8192xf32>
    %max3A_18 = arith.maximumf %mul3A_16, %max3A_17 : vector<32x8192xf32>
    %div3A = arith.divf %dot_general3A_7, %max3A_18 : vector<32x8192xf32>
    %swap3A = arith.constant 0 : index
    %swap3A_19 = arith.constant 0 : index
    %swap3A_20 = vector.load %arg4[%swap3A, %swap3A_19] : memref<32x8192xf32, #tpu.memory_space<vmem>>, vector<32x8192xf32>
    tpu.vector_store %arg4[%swap3A, %swap3A_19], %div3A {strides = array<i32>} : memref<32x8192xf32, #tpu.memory_space<vmem>>, vector<32x8192xf32>,
    %iota3A = tpu.iota {dimensions = array<i32: 1>} : vector<32x8192xi32>
    %mul3A_21 = arith.constant 8192 : i32
    %mul3A_22 = arith.muli %arg0, %mul3A_21 : i32
    %add3A = vector.broadcast %mul3A_22 : i32 to vector<32x8192xi32>
    %add3A_23 = arith.addi %iota3A, %add3A : vector<32x8192xi32>
    %lt3A = arith.constant 1000000 : i32
    %lt3A_24 = vector.broadcast %lt3A : i32 to vector<32x8192xi32>
    %lt3A_25 = arith.cmpi slt, %add3A_23, %lt3A_24 : vector<32x8192xi32>
    %jit3A = arith.constant 0xFF800000 : f32
    %broadcast_in_dim3A_26 = vector.broadcast %jit3A : f32 to vector<32x8192xf32>
    %select_n3A = arith.select %lt3A_25, %div3A, %broadcast_in_dim3A_26 : vector<32x8192xi1>, vector<32x8192xf32>
    %reduce_max3A = arith.constant dense<0xFF800000> : vector<32xf32>
    %reduce_max3A_27 = vector.multi_reduction <maximumf>, %select_n3A, %reduce_max3A [1] : vector<32x8192xf32> to vector<32xf32>
    %broadcast_in_dim3A_28 = vector.shape_cast %reduce_max3A_27 : vector<32xf32> to vector<32x1xf32>
    %get3A_29 = arith.constant 0 : index
    %get3A_30 = arith.constant 0 : index
    %get3A_31 = vector.load %arg6[%get3A_29, %get3A_30] : memref<32x1xf32, #tpu.memory_space<vmem>>, vector<32x1xf32>
    %gt3A = arith.cmpf ogt, %broadcast_in_dim3A_28, %get3A_31 : vector<32x1xf32>
    %reduce_or3A = arith.constant 1.000000e+00 : f32
    %reduce_or3A_32 = arith.constant 0.000000e+00 : f32
    %reduce_or3A_33 = vector.broadcast %reduce_or3A : f32 to vector<32x1xf32>
    %reduce_or3A_34 = vector.broadcast %reduce_or3A_32 : f32 to vector<32x1xf32>
    %reduce_or3A_35 = arith.select %gt3A, %reduce_or3A_33, %reduce_or3A_34 : vector<32x1xi1>, vector<32x1xf32>
    %reduce_or3A_36 = vector.shape_cast %reduce_or3A_35 : vector<32x1xf32> to vector<1x32x1xf32>
    %reduce_or3A_37 = arith.constant dense<0xFF800000> : vector<1xf32>
    %reduce_or3A_38 = vector.multi_reduction <maximumf>, %reduce_or3A_36, %reduce_or3A_37 [1, 2] : vector<1x32x1xf32> to vector<1xf32>
    %reduce_or3A_39 = vector.shape_cast %reduce_or3A_38 : vector<1xf32> to vector<1x1x1xf32>
    %reduce_or3A_40 = vector.extract %reduce_or3A_39[0, 0, 0] : f32 from vector<1x1x1xf32>
    %reduce_or3A_41 = arith.constant 0.000000e+00 : f32
    %reduce_or3A_42 = arith.cmpf ogt, %reduce_or3A_40, %reduce_or3A_41 : f32
    %convert_element_type3A_43 = arith.extui %reduce_or3A_42 : i1 to i32
    %cond3A_44 = arith.constant 0 : i32
    %cond3A_45 = arith.cmpi ne, %convert_element_type3A_43, %cond3A_44 : i32
    scf.if %cond3A_45 {
      %slice3A = vector.extract_strided_slice %select_n3A {offsets = [0, 0], sizes = [32, 128], strides = [1, 1]} : vector<32x8192xf32> to vector<32x128xf32>
      %broadcast_in_dim3A_46 = arith.constant 0 : i32
      %broadcast_in_dim3A_47 = vector.broadcast %broadcast_in_dim3A_46 : i32 to vector<32x128xi32>
      %slice3A_48 = vector.extract_strided_slice %select_n3A {offsets = [0, 128], sizes = [32, 128], strides = [1, 1]} : vector<32x8192xf32> to vector<32x128xf32>
      %gt3A_49 = arith.cmpf ogt, %slice3A_48, %slice3A : vector<32x128xf32>
      %select_n3A_50 = arith.select %gt3A_49, %slice3A_48, %slice3A : vector<32x128xi1>, vector<32x128xf32>
      %jit3A_51 = arith.constant 1 : i32
      %broadcast_in_dim3A_52 = vector.broadcast %jit3A_51 : i32 to vector<32x128xi32>
      %select_n3A_53 = arith.select %gt3A_49, %broadcast_in_dim3A_52, %broadcast_in_dim3A_47 : vector<32x128xi1>, vector<32x128xi32>
      %slice3A_54 = vector.extract_strided_slice %select_n3A {offsets = [0, 256], sizes = [32, 128], strides = [1, 1]} : vector<32x8192xf32> to vector<32x128xf32>
      %gt3A_55 = arith.cmpf ogt, %slice3A_54, %select_n3A_50 : vector<32x128xf32>
      %select_n3A_56 = arith.select %gt3A_55, %slice3A_54, %select_n3A_50 : vector<32x128xi1>, vector<32x128xf32>
      %jit3A_57 = arith.constant 2 : i32
      %broadcast_in_dim3A_58 = vector.broadcast %jit3A_57 : i32 to vector<32x128xi32>
      %select_n3A_59 = arith.select %gt3A_55, %broadcast_in_dim3A_58, %select_n3A_53 : vector<32x128xi1>, vector<32x128xi32>
      %slice3A_60 = vector.extract_strided_slice %select_n3A {offsets = [0, 384], sizes = [32, 128], strides = [1, 1]} : vector<32x8192xf32> to vector<32x128xf32>
      %gt3A_61 = arith.cmpf ogt, %slice3A_60, %select_n3A_56 : vector<32x128xf32>
      %select_n3A_62 = arith.select %gt3A_61, %slice3A_60, %select_n3A_56 : vector<32x128xi1>, vector<32x128xf32>
      %jit3A_63 = arith.constant 3 : i32
      %broadcast_in_dim3A_64 = vector.broadcast %jit3A_63 : i32 to vector<32x128xi32>
      %select_n3A_65 = arith.select %gt3A_61, %broadcast_in_dim3A_64, %select_n3A_59 : vector<32x128xi1>, vector<32x128xi32>
      %slice3A_66 = vector.extract_strided_slice %select_n3A {offsets = [0, 512], sizes = [32, 128], strides = [1, 1]} : vector<32x8192xf32> to vector<32x128xf32>
      %gt3A_67 = arith.cmpf ogt, %slice3A_66, %select_n3A_62 : vector<32x128xf32>
      %select_n3A_68 = arith.select %gt3A_67, %slice3A_66, %select_n3A_62 : vector<32x128xi1>, vector<32x128xf32>
      %jit3A_69 = arith.constant 4 : i32
      %broadcast_in_dim3A_70 = vector.broadcast %jit3A_69 : i32 to vector<32x128xi32>
      %select_n3A_71 = arith.select %gt3A_67, %broadcast_in_dim3A_70, %select_n3A_65 : vector<32x128xi1>, vector<32x128xi32>
      %slice3A_72 = vector.extract_strided_slice %select_n3A {offsets = [0, 640], sizes = [32, 128], strides = [1, 1]} : vector<32x8192xf32> to vector<32x128xf32>
      %gt3A_73 = arith.cmpf ogt, %slice3A_72, %select_n3A_68 : vector<32x128xf32>
      %select_n3A_74 = arith.select %gt3A_73, %slice3A_72, %select_n3A_68 : vector<32x128xi1>, vector<32x128xf32>
      %jit3A_75 = arith.constant 5 : i32
      %broadcast_in_dim3A_76 = vector.broadcast %jit3A_75 : i32 to vector<32x128xi32>
      %select_n3A_77 = arith.select %gt3A_73, %broadcast_in_dim3A_76, %select_n3A_71 : vector<32x128xi1>, vector<32x128xi32>
      %slice3A_78 = vector.extract_strided_slice %select_n3A {offsets = [0, 768], sizes = [32, 128], strides = [1, 1]} : vector<32x8192xf32> to vector<32x128xf32>
      %gt3A_79 = arith.cmpf ogt, %slice3A_78, %select_n3A_74 : vector<32x128xf32>
      %select_n3A_80 = arith.select %gt3A_79, %slice3A_78, %select_n3A_74 : vector<32x128xi1>, vector<32x128xf32>
      %jit3A_81 = arith.constant 6 : i32
      %broadcast_in_dim3A_82 = vector.broadcast %jit3A_81 : i32 to vector<32x128xi32>
      %select_n3A_83 = arith.select %gt3A_79, %broadcast_in_dim3A_82, %select_n3A_77 : vector<32x128xi1>, vector<32x128xi32>
      %slice3A_84 = vector.extract_strided_slice %select_n3A {offsets = [0, 896], sizes = [32, 128], strides = [1, 1]} : vector<32x8192xf32> to vector<32x128xf32>
      %gt3A_85 = arith.cmpf ogt, %slice3A_84, %select_n3A_80 : vector<32x128xf32>
      %select_n3A_86 = arith.select %gt3A_85, %slice3A_84, %select_n3A_80 : vector<32x128xi1>, vector<32x128xf32>
      %jit3A_87 = arith.constant 7 : i32
      %broadcast_in_dim3A_88 = vector.broadcast %jit3A_87 : i32 to vector<32x128xi32>
      %select_n3A_89 = arith.select %gt3A_85, %broadcast_in_dim3A_88, %select_n3A_83 : vector<32x128xi1>, vector<32x128xi32>
      %slice3A_90 = vector.extract_strided_slice %select_n3A {offsets = [0, 1024], sizes = [32, 128], strides = [1, 1]} : vector<32x8192xf32> to vector<32x128xf32>
      %gt3A_91 = arith.cmpf ogt, %slice3A_90, %select_n3A_86 : vector<32x128xf32>
      %select_n3A_92 = arith.select %gt3A_91, %slice3A_90, %select_n3A_86 : vector<32x128xi1>, vector<32x128xf32>
      %jit3A_93 = arith.constant 8 : i32
      %broadcast_in_dim3A_94 = vector.broadcast %jit3A_93 : i32 to vector<32x128xi32>
      %select_n3A_95 = arith.select %gt3A_91, %broadcast_in_dim3A_94, %select_n3A_89 : vector<32x128xi1>, vector<32x128xi32>
      %slice3A_96 = vector.extract_strided_slice %select_n3A {offsets = [0, 1152], sizes = [32, 128], strides = [1, 1]} : vector<32x8192xf32> to vector<32x128xf32>
      %gt3A_97 = arith.cmpf ogt, %slice3A_96, %select_n3A_92 : vector<32x128xf32>
      %select_n3A_98 = arith.select %gt3A_97, %slice3A_96, %select_n3A_92 : vector<32x128xi1>, vector<32x128xf32>
      %jit3A_99 = arith.constant 9 : i32
      %broadcast_in_dim3A_100 = vector.broadcast %jit3A_99 : i32 to vector<32x128xi32>
      %select_n3A_101 = arith.select %gt3A_97, %broadcast_in_dim3A_100, %select_n3A_95 : vector<32x128xi1>, vector<32x128xi32>
      %slice3A_102 = vector.extract_strided_slice %select_n3A {offsets = [0, 1280], sizes = [32, 128], strides = [1, 1]} : vector<32x8192xf32> to vector<32x128xf32>
      %gt3A_103 = arith.cmpf ogt, %slice3A_102, %select_n3A_98 : vector<32x128xf32>
      %select_n3A_104 = arith.select %gt3A_103, %slice3A_102, %select_n3A_98 : vector<32x128xi1>, vector<32x128xf32>
      %jit3A_105 = arith.constant 10 : i32
      %broadcast_in_dim3A_106 = vector.broadcast %jit3A_105 : i32 to vector<32x128xi32>
      %select_n3A_107 = arith.select %gt3A_103, %broadcast_in_dim3A_106, %select_n3A_101 : vector<32x128xi1>, vector<32x128xi32>
      %slice3A_108 = vector.extract_strided_slice %select_n3A {offsets = [0, 1408], sizes = [32, 128], strides = [1, 1]} : vector<32x8192xf32> to vector<32x128xf32>
      %gt3A_109 = arith.cmpf ogt, %slice3A_108, %select_n3A_104 : vector<32x128xf32>
      %select_n3A_110 = arith.select %gt3A_109, %slice3A_108, %select_n3A_104 : vector<32x128xi1>, vector<32x128xf32>
      %jit3A_111 = arith.constant 11 : i32
      %broadcast_in_dim3A_112 = vector.broadcast %jit3A_111 : i32 to vector<32x128xi32>
      %select_n3A_113 = arith.select %gt3A_109, %broadcast_in_dim3A_112, %select_n3A_107 : vector<32x128xi1>, vector<32x128xi32>
      %slice3A_114 = vector.extract_strided_slice %select_n3A {offsets = [0, 1536], sizes = [32, 128], strides = [1, 1]} : vector<32x8192xf32> to vector<32x128xf32>
      %gt3A_115 = arith.cmpf ogt, %slice3A_114, %select_n3A_110 : vector<32x128xf32>
      %select_n3A_116 = arith.select %gt3A_115, %slice3A_114, %select_n3A_110 : vector<32x128xi1>, vector<32x128xf32>
      %jit3A_117 = arith.constant 12 : i32
      %broadcast_in_dim3A_118 = vector.broadcast %jit3A_117 : i32 to vector<32x128xi32>
      %select_n3A_119 = arith.select %gt3A_115, %broadcast_in_dim3A_118, %select_n3A_113 : vector<32x128xi1>, vector<32x128xi32>
      %slice3A_120 = vector.extract_strided_slice %select_n3A {offsets = [0, 1664], sizes = [32, 128], strides = [1, 1]} : vector<32x8192xf32> to vector<32x128xf32>
      %gt3A_121 = arith.cmpf ogt, %slice3A_120, %select_n3A_116 : vector<32x128xf32>
      %select_n3A_122 = arith.select %gt3A_121, %slice3A_120, %select_n3A_116 : vector<32x128xi1>, vector<32x128xf32>
      %jit3A_123 = arith.constant 13 : i32
      %broadcast_in_dim3A_124 = vector.broadcast %jit3A_123 : i32 to vector<32x128xi32>
      %select_n3A_125 = arith.select %gt3A_121, %broadcast_in_dim3A_124, %select_n3A_119 : vector<32x128xi1>, vector<32x128xi32>
      %slice3A_126 = vector.extract_strided_slice %select_n3A {offsets = [0, 1792], sizes = [32, 128], strides = [1, 1]} : vector<32x8192xf32> to vector<32x128xf32>
      %gt3A_127 = arith.cmpf ogt, %slice3A_126, %select_n3A_122 : vector<32x128xf32>
      %select_n3A_128 = arith.select %gt3A_127, %slice3A_126, %select_n3A_122 : vector<32x128xi1>, vector<32x128xf32>
      %jit3A_129 = arith.constant 14 : i32
      %broadcast_in_dim3A_130 = vector.broadcast %jit3A_129 : i32 to vector<32x128xi32>
      %select_n3A_131 = arith.select %gt3A_127, %broadcast_in_dim3A_130, %select_n3A_125 : vector<32x128xi1>, vector<32x128xi32>
      %slice3A_132 = vector.extract_strided_slice %select_n3A {offsets = [0, 1920], sizes = [32, 128], strides = [1, 1]} : vector<32x8192xf32> to vector<32x128xf32>
      %gt3A_133 = arith.cmpf ogt, %slice3A_132, %select_n3A_128 : vector<32x128xf32>
      %select_n3A_134 = arith.select %gt3A_133, %slice3A_132, %select_n3A_128 : vector<32x128xi1>, vector<32x128xf32>
      %jit3A_135 = arith.constant 15 : i32
      %broadcast_in_dim3A_136 = vector.broadcast %jit3A_135 : i32 to vector<32x128xi32>
      %select_n3A_137 = arith.select %gt3A_133, %broadcast_in_dim3A_136, %select_n3A_131 : vector<32x128xi1>, vector<32x128xi32>
      %slice3A_138 = vector.extract_strided_slice %select_n3A {offsets = [0, 2048], sizes = [32, 128], strides = [1, 1]} : vector<32x8192xf32> to vector<32x128xf32>
      %gt3A_139 = arith.cmpf ogt, %slice3A_138, %select_n3A_134 : vector<32x128xf32>
      %select_n3A_140 = arith.select %gt3A_139, %slice3A_138, %select_n3A_134 : vector<32x128xi1>, vector<32x128xf32>
      %jit3A_141 = arith.constant 16 : i32
      %broadcast_in_dim3A_142 = vector.broadcast %jit3A_141 : i32 to vector<32x128xi32>
      %select_n3A_143 = arith.select %gt3A_139, %broadcast_in_dim3A_142, %select_n3A_137 : vector<32x128xi1>, vector<32x128xi32>
      %slice3A_144 = vector.extract_strided_slice %select_n3A {offsets = [0, 2176], sizes = [32, 128], strides = [1, 1]} : vector<32x8192xf32> to vector<32x128xf32>
      %gt3A_145 = arith.cmpf ogt, %slice3A_144, %select_n3A_140 : vector<32x128xf32>
      %select_n3A_146 = arith.select %gt3A_145, %slice3A_144, %select_n3A_140 : vector<32x128xi1>, vector<32x128xf32>
      %jit3A_147 = arith.constant 17 : i32
      %broadcast_in_dim3A_148 = vector.broadcast %jit3A_147 : i32 to vector<32x128xi32>
      %select_n3A_149 = arith.select %gt3A_145, %broadcast_in_dim3A_148, %select_n3A_143 : vector<32x128xi1>, vector<32x128xi32>
      %slice3A_150 = vector.extract_strided_slice %select_n3A {offsets = [0, 2304], sizes = [32, 128], strides = [1, 1]} : vector<32x8192xf32> to vector<32x128xf32>
      %gt3A_151 = arith.cmpf ogt, %slice3A_150, %select_n3A_146 : vector<32x128xf32>
      %select_n3A_152 = arith.select %gt3A_151, %slice3A_150, %select_n3A_146 : vector<32x128xi1>, vector<32x128xf32>
      %jit3A_153 = arith.constant 18 : i32
      %broadcast_in_dim3A_154 = vector.broadcast %jit3A_153 : i32 to vector<32x128xi32>
      %select_n3A_155 = arith.select %gt3A_151, %broadcast_in_dim3A_154, %select_n3A_149 : vector<32x128xi1>, vector<32x128xi32>
      %slice3A_156 = vector.extract_strided_slice %select_n3A {offsets = [0, 2432], sizes = [32, 128], strides = [1, 1]} : vector<32x8192xf32> to vector<32x128xf32>
      %gt3A_157 = arith.cmpf ogt, %slice3A_156, %select_n3A_152 : vector<32x128xf32>
      %select_n3A_158 = arith.select %gt3A_157, %slice3A_156, %select_n3A_152 : vector<32x128xi1>, vector<32x128xf32>
      %jit3A_159 = arith.constant 19 : i32
      %broadcast_in_dim3A_160 = vector.broadcast %jit3A_159 : i32 to vector<32x128xi32>
      %select_n3A_161 = arith.select %gt3A_157, %broadcast_in_dim3A_160, %select_n3A_155 : vector<32x128xi1>, vector<32x128xi32>
      %slice3A_162 = vector.extract_strided_slice %select_n3A {offsets = [0, 2560], sizes = [32, 128], strides = [1, 1]} : vector<32x8192xf32> to vector<32x128xf32>
      %gt3A_163 = arith.cmpf ogt, %slice3A_162, %select_n3A_158 : vector<32x128xf32>
      %select_n3A_164 = arith.select %gt3A_163, %slice3A_162, %select_n3A_158 : vector<32x128xi1>, vector<32x128xf32>
      %jit3A_165 = arith.constant 20 : i32
      %broadcast_in_dim3A_166 = vector.broadcast %jit3A_165 : i32 to vector<32x128xi32>
      %select_n3A_167 = arith.select %gt3A_163, %broadcast_in_dim3A_166, %select_n3A_161 : vector<32x128xi1>, vector<32x128xi32>
      %slice3A_168 = vector.extract_strided_slice %select_n3A {offsets = [0, 2688], sizes = [32, 128], strides = [1, 1]} : vector<32x8192xf32> to vector<32x128xf32>
      %gt3A_169 = arith.cmpf ogt, %slice3A_168, %select_n3A_164 : vector<32x128xf32>
      %select_n3A_170 = arith.select %gt3A_169, %slice3A_168, %select_n3A_164 : vector<32x128xi1>, vector<32x128xf32>
      %jit3A_171 = arith.constant 21 : i32
      %broadcast_in_dim3A_172 = vector.broadcast %jit3A_171 : i32 to vector<32x128xi32>
      %select_n3A_173 = arith.select %gt3A_169, %broadcast_in_dim3A_172, %select_n3A_167 : vector<32x128xi1>, vector<32x128xi32>
      %slice3A_174 = vector.extract_strided_slice %select_n3A {offsets = [0, 2816], sizes = [32, 128], strides = [1, 1]} : vector<32x8192xf32> to vector<32x128xf32>
      %gt3A_175 = arith.cmpf ogt, %slice3A_174, %select_n3A_170 : vector<32x128xf32>
      %select_n3A_176 = arith.select %gt3A_175, %slice3A_174, %select_n3A_170 : vector<32x128xi1>, vector<32x128xf32>
      %jit3A_177 = arith.constant 22 : i32
      %broadcast_in_dim3A_178 = vector.broadcast %jit3A_177 : i32 to vector<32x128xi32>
      %select_n3A_179 = arith.select %gt3A_175, %broadcast_in_dim3A_178, %select_n3A_173 : vector<32x128xi1>, vector<32x128xi32>
      %slice3A_180 = vector.extract_strided_slice %select_n3A {offsets = [0, 2944], sizes = [32, 128], strides = [1, 1]} : vector<32x8192xf32> to vector<32x128xf32>
      %gt3A_181 = arith.cmpf ogt, %slice3A_180, %select_n3A_176 : vector<32x128xf32>
      %select_n3A_182 = arith.select %gt3A_181, %slice3A_180, %select_n3A_176 : vector<32x128xi1>, vector<32x128xf32>
      %jit3A_183 = arith.constant 23 : i32
      %broadcast_in_dim3A_184 = vector.broadcast %jit3A_183 : i32 to vector<32x128xi32>
      %select_n3A_185 = arith.select %gt3A_181, %broadcast_in_dim3A_184, %select_n3A_179 : vector<32x128xi1>, vector<32x128xi32>
      %slice3A_186 = vector.extract_strided_slice %select_n3A {offsets = [0, 3072], sizes = [32, 128], strides = [1, 1]} : vector<32x8192xf32> to vector<32x128xf32>
      %gt3A_187 = arith.cmpf ogt, %slice3A_186, %select_n3A_182 : vector<32x128xf32>
      %select_n3A_188 = arith.select %gt3A_187, %slice3A_186, %select_n3A_182 : vector<32x128xi1>, vector<32x128xf32>
      %jit3A_189 = arith.constant 24 : i32
      %broadcast_in_dim3A_190 = vector.broadcast %jit3A_189 : i32 to vector<32x128xi32>
      %select_n3A_191 = arith.select %gt3A_187, %broadcast_in_dim3A_190, %select_n3A_185 : vector<32x128xi1>, vector<32x128xi32>
      %slice3A_192 = vector.extract_strided_slice %select_n3A {offsets = [0, 3200], sizes = [32, 128], strides = [1, 1]} : vector<32x8192xf32> to vector<32x128xf32>
      %gt3A_193 = arith.cmpf ogt, %slice3A_192, %select_n3A_188 : vector<32x128xf32>
      %select_n3A_194 = arith.select %gt3A_193, %slice3A_192, %select_n3A_188 : vector<32x128xi1>, vector<32x128xf32>
      %jit3A_195 = arith.constant 25 : i32
      %broadcast_in_dim3A_196 = vector.broadcast %jit3A_195 : i32 to vector<32x128xi32>
      %select_n3A_197 = arith.select %gt3A_193, %broadcast_in_dim3A_196, %select_n3A_191 : vector<32x128xi1>, vector<32x128xi32>
      %slice3A_198 = vector.extract_strided_slice %select_n3A {offsets = [0, 3328], sizes = [32, 128], strides = [1, 1]} : vector<32x8192xf32> to vector<32x128xf32>
      %gt3A_199 = arith.cmpf ogt, %slice3A_198, %select_n3A_194 : vector<32x128xf32>
      %select_n3A_200 = arith.select %gt3A_199, %slice3A_198, %select_n3A_194 : vector<32x128xi1>, vector<32x128xf32>
      %jit3A_201 = arith.constant 26 : i32
      %broadcast_in_dim3A_202 = vector.broadcast %jit3A_201 : i32 to vector<32x128xi32>
      %select_n3A_203 = arith.select %gt3A_199, %broadcast_in_dim3A_202, %select_n3A_197 : vector<32x128xi1>, vector<32x128xi32>
      %slice3A_204 = vector.extract_strided_slice %select_n3A {offsets = [0, 3456], sizes = [32, 128], strides = [1, 1]} : vector<32x8192xf32> to vector<32x128xf32>
      %gt3A_205 = arith.cmpf ogt, %slice3A_204, %select_n3A_200 : vector<32x128xf32>
      %select_n3A_206 = arith.select %gt3A_205, %slice3A_204, %select_n3A_200 : vector<32x128xi1>, vector<32x128xf32>
      %jit3A_207 = arith.constant 27 : i32
      %broadcast_in_dim3A_208 = vector.broadcast %jit3A_207 : i32 to vector<32x128xi32>
      %select_n3A_209 = arith.select %gt3A_205, %broadcast_in_dim3A_208, %select_n3A_203 : vector<32x128xi1>, vector<32x128xi32>
      %slice3A_210 = vector.extract_strided_slice %select_n3A {offsets = [0, 3584], sizes = [32, 128], strides = [1, 1]} : vector<32x8192xf32> to vector<32x128xf32>
      %gt3A_211 = arith.cmpf ogt, %slice3A_210, %select_n3A_206 : vector<32x128xf32>
      %select_n3A_212 = arith.select %gt3A_211, %slice3A_210, %select_n3A_206 : vector<32x128xi1>, vector<32x128xf32>
      %jit3A_213 = arith.constant 28 : i32
      %broadcast_in_dim3A_214 = vector.broadcast %jit3A_213 : i32 to vector<32x128xi32>
      %select_n3A_215 = arith.select %gt3A_211, %broadcast_in_dim3A_214, %select_n3A_209 : vector<32x128xi1>, vector<32x128xi32>
      %slice3A_216 = vector.extract_strided_slice %select_n3A {offsets = [0, 3712], sizes = [32, 128], strides = [1, 1]} : vector<32x8192xf32> to vector<32x128xf32>
      %gt3A_217 = arith.cmpf ogt, %slice3A_216, %select_n3A_212 : vector<32x128xf32>
      %select_n3A_218 = arith.select %gt3A_217, %slice3A_216, %select_n3A_212 : vector<32x128xi1>, vector<32x128xf32>
      %jit3A_219 = arith.constant 29 : i32
      %broadcast_in_dim3A_220 = vector.broadcast %jit3A_219 : i32 to vector<32x128xi32>
      %select_n3A_221 = arith.select %gt3A_217, %broadcast_in_dim3A_220, %select_n3A_215 : vector<32x128xi1>, vector<32x128xi32>
      %slice3A_222 = vector.extract_strided_slice %select_n3A {offsets = [0, 3840], sizes = [32, 128], strides = [1, 1]} : vector<32x8192xf32> to vector<32x128xf32>
      %gt3A_223 = arith.cmpf ogt, %slice3A_222, %select_n3A_218 : vector<32x128xf32>
      %select_n3A_224 = arith.select %gt3A_223, %slice3A_222, %select_n3A_218 : vector<32x128xi1>, vector<32x128xf32>
      %jit3A_225 = arith.constant 30 : i32
      %broadcast_in_dim3A_226 = vector.broadcast %jit3A_225 : i32 to vector<32x128xi32>
      %select_n3A_227 = arith.select %gt3A_223, %broadcast_in_dim3A_226, %select_n3A_221 : vector<32x128xi1>, vector<32x128xi32>
      %slice3A_228 = vector.extract_strided_slice %select_n3A {offsets = [0, 3968], sizes = [32, 128], strides = [1, 1]} : vector<32x8192xf32> to vector<32x128xf32>
      %gt3A_229 = arith.cmpf ogt, %slice3A_228, %select_n3A_224 : vector<32x128xf32>
      %select_n3A_230 = arith.select %gt3A_229, %slice3A_228, %select_n3A_224 : vector<32x128xi1>, vector<32x128xf32>
      %jit3A_231 = arith.constant 31 : i32
      %broadcast_in_dim3A_232 = vector.broadcast %jit3A_231 : i32 to vector<32x128xi32>
      %select_n3A_233 = arith.select %gt3A_229, %broadcast_in_dim3A_232, %select_n3A_227 : vector<32x128xi1>, vector<32x128xi32>
      %slice3A_234 = vector.extract_strided_slice %select_n3A {offsets = [0, 4096], sizes = [32, 128], strides = [1, 1]} : vector<32x8192xf32> to vector<32x128xf32>
      %gt3A_235 = arith.cmpf ogt, %slice3A_234, %select_n3A_230 : vector<32x128xf32>
      %select_n3A_236 = arith.select %gt3A_235, %slice3A_234, %select_n3A_230 : vector<32x128xi1>, vector<32x128xf32>
      %jit3A_237 = arith.constant 32 : i32
      %broadcast_in_dim3A_238 = vector.broadcast %jit3A_237 : i32 to vector<32x128xi32>
      %select_n3A_239 = arith.select %gt3A_235, %broadcast_in_dim3A_238, %select_n3A_233 : vector<32x128xi1>, vector<32x128xi32>
      %slice3A_240 = vector.extract_strided_slice %select_n3A {offsets = [0, 4224], sizes = [32, 128], strides = [1, 1]} : vector<32x8192xf32> to vector<32x128xf32>
      %gt3A_241 = arith.cmpf ogt, %slice3A_240, %select_n3A_236 : vector<32x128xf32>
      %select_n3A_242 = arith.select %gt3A_241, %slice3A_240, %select_n3A_236 : vector<32x128xi1>, vector<32x128xf32>
      %jit3A_243 = arith.constant 33 : i32
      %broadcast_in_dim3A_244 = vector.broadcast %jit3A_243 : i32 to vector<32x128xi32>
      %select_n3A_245 = arith.select %gt3A_241, %broadcast_in_dim3A_244, %select_n3A_239 : vector<32x128xi1>, vector<32x128xi32>
      %slice3A_246 = vector.extract_strided_slice %select_n3A {offsets = [0, 4352], sizes = [32, 128], strides = [1, 1]} : vector<32x8192xf32> to vector<32x128xf32>
      %gt3A_247 = arith.cmpf ogt, %slice3A_246, %select_n3A_242 : vector<32x128xf32>
      %select_n3A_248 = arith.select %gt3A_247, %slice3A_246, %select_n3A_242 : vector<32x128xi1>, vector<32x128xf32>
      %jit3A_249 = arith.constant 34 : i32
      %broadcast_in_dim3A_250 = vector.broadcast %jit3A_249 : i32 to vector<32x128xi32>
      %select_n3A_251 = arith.select %gt3A_247, %broadcast_in_dim3A_250, %select_n3A_245 : vector<32x128xi1>, vector<32x128xi32>
      %slice3A_252 = vector.extract_strided_slice %select_n3A {offsets = [0, 4480], sizes = [32, 128], strides = [1, 1]} : vector<32x8192xf32> to vector<32x128xf32>
      %gt3A_253 = arith.cmpf ogt, %slice3A_252, %select_n3A_248 : vector<32x128xf32>
      %select_n3A_254 = arith.select %gt3A_253, %slice3A_252, %select_n3A_248 : vector<32x128xi1>, vector<32x128xf32>
      %jit3A_255 = arith.constant 35 : i32
      %broadcast_in_dim3A_256 = vector.broadcast %jit3A_255 : i32 to vector<32x128xi32>
      %select_n3A_257 = arith.select %gt3A_253, %broadcast_in_dim3A_256, %select_n3A_251 : vector<32x128xi1>, vector<32x128xi32>
      %slice3A_258 = vector.extract_strided_slice %select_n3A {offsets = [0, 4608], sizes = [32, 128], strides = [1, 1]} : vector<32x8192xf32> to vector<32x128xf32>
      %gt3A_259 = arith.cmpf ogt, %slice3A_258, %select_n3A_254 : vector<32x128xf32>
      %select_n3A_260 = arith.select %gt3A_259, %slice3A_258, %select_n3A_254 : vector<32x128xi1>, vector<32x128xf32>
      %jit3A_261 = arith.constant 36 : i32
      %broadcast_in_dim3A_262 = vector.broadcast %jit3A_261 : i32 to vector<32x128xi32>
      %select_n3A_263 = arith.select %gt3A_259, %broadcast_in_dim3A_262, %select_n3A_257 : vector<32x128xi1>, vector<32x128xi32>
      %slice3A_264 = vector.extract_strided_slice %select_n3A {offsets = [0, 4736], sizes = [32, 128], strides = [1, 1]} : vector<32x8192xf32> to vector<32x128xf32>
      %gt3A_265 = arith.cmpf ogt, %slice3A_264, %select_n3A_260 : vector<32x128xf32>
      %select_n3A_266 = arith.select %gt3A_265, %slice3A_264, %select_n3A_260 : vector<32x128xi1>, vector<32x128xf32>
      %jit3A_267 = arith.constant 37 : i32
      %broadcast_in_dim3A_268 = vector.broadcast %jit3A_267 : i32 to vector<32x128xi32>
      %select_n3A_269 = arith.select %gt3A_265, %broadcast_in_dim3A_268, %select_n3A_263 : vector<32x128xi1>, vector<32x128xi32>
      %slice3A_270 = vector.extract_strided_slice %select_n3A {offsets = [0, 4864], sizes = [32, 128], strides = [1, 1]} : vector<32x8192xf32> to vector<32x128xf32>
      %gt3A_271 = arith.cmpf ogt, %slice3A_270, %select_n3A_266 : vector<32x128xf32>
      %select_n3A_272 = arith.select %gt3A_271, %slice3A_270, %select_n3A_266 : vector<32x128xi1>, vector<32x128xf32>
      %jit3A_273 = arith.constant 38 : i32
      %broadcast_in_dim3A_274 = vector.broadcast %jit3A_273 : i32 to vector<32x128xi32>
      %select_n3A_275 = arith.select %gt3A_271, %broadcast_in_dim3A_274, %select_n3A_269 : vector<32x128xi1>, vector<32x128xi32>
      %slice3A_276 = vector.extract_strided_slice %select_n3A {offsets = [0, 4992], sizes = [32, 128], strides = [1, 1]} : vector<32x8192xf32> to vector<32x128xf32>
      %gt3A_277 = arith.cmpf ogt, %slice3A_276, %select_n3A_272 : vector<32x128xf32>
      %select_n3A_278 = arith.select %gt3A_277, %slice3A_276, %select_n3A_272 : vector<32x128xi1>, vector<32x128xf32>
      %jit3A_279 = arith.constant 39 : i32
      %broadcast_in_dim3A_280 = vector.broadcast %jit3A_279 : i32 to vector<32x128xi32>
      %select_n3A_281 = arith.select %gt3A_277, %broadcast_in_dim3A_280, %select_n3A_275 : vector<32x128xi1>, vector<32x128xi32>
      %slice3A_282 = vector.extract_strided_slice %select_n3A {offsets = [0, 5120], sizes = [32, 128], strides = [1, 1]} : vector<32x8192xf32> to vector<32x128xf32>
      %gt3A_283 = arith.cmpf ogt, %slice3A_282, %select_n3A_278 : vector<32x128xf32>
      %select_n3A_284 = arith.select %gt3A_283, %slice3A_282, %select_n3A_278 : vector<32x128xi1>, vector<32x128xf32>
      %jit3A_285 = arith.constant 40 : i32
      %broadcast_in_dim3A_286 = vector.broadcast %jit3A_285 : i32 to vector<32x128xi32>
      %select_n3A_287 = arith.select %gt3A_283, %broadcast_in_dim3A_286, %select_n3A_281 : vector<32x128xi1>, vector<32x128xi32>
      %slice3A_288 = vector.extract_strided_slice %select_n3A {offsets = [0, 5248], sizes = [32, 128], strides = [1, 1]} : vector<32x8192xf32> to vector<32x128xf32>
      %gt3A_289 = arith.cmpf ogt, %slice3A_288, %select_n3A_284 : vector<32x128xf32>
      %select_n3A_290 = arith.select %gt3A_289, %slice3A_288, %select_n3A_284 : vector<32x128xi1>, vector<32x128xf32>
      %jit3A_291 = arith.constant 41 : i32
      %broadcast_in_dim3A_292 = vector.broadcast %jit3A_291 : i32 to vector<32x128xi32>
      %select_n3A_293 = arith.select %gt3A_289, %broadcast_in_dim3A_292, %select_n3A_287 : vector<32x128xi1>, vector<32x128xi32>
      %slice3A_294 = vector.extract_strided_slice %select_n3A {offsets = [0, 5376], sizes = [32, 128], strides = [1, 1]} : vector<32x8192xf32> to vector<32x128xf32>
      %gt3A_295 = arith.cmpf ogt, %slice3A_294, %select_n3A_290 : vector<32x128xf32>
      %select_n3A_296 = arith.select %gt3A_295, %slice3A_294, %select_n3A_290 : vector<32x128xi1>, vector<32x128xf32>
      %jit3A_297 = arith.constant 42 : i32
      %broadcast_in_dim3A_298 = vector.broadcast %jit3A_297 : i32 to vector<32x128xi32>
      %select_n3A_299 = arith.select %gt3A_295, %broadcast_in_dim3A_298, %select_n3A_293 : vector<32x128xi1>, vector<32x128xi32>
      %slice3A_300 = vector.extract_strided_slice %select_n3A {offsets = [0, 5504], sizes = [32, 128], strides = [1, 1]} : vector<32x8192xf32> to vector<32x128xf32>
      %gt3A_301 = arith.cmpf ogt, %slice3A_300, %select_n3A_296 : vector<32x128xf32>
      %select_n3A_302 = arith.select %gt3A_301, %slice3A_300, %select_n3A_296 : vector<32x128xi1>, vector<32x128xf32>
      %jit3A_303 = arith.constant 43 : i32
      %broadcast_in_dim3A_304 = vector.broadcast %jit3A_303 : i32 to vector<32x128xi32>
      %select_n3A_305 = arith.select %gt3A_301, %broadcast_in_dim3A_304, %select_n3A_299 : vector<32x128xi1>, vector<32x128xi32>
      %slice3A_306 = vector.extract_strided_slice %select_n3A {offsets = [0, 5632], sizes = [32, 128], strides = [1, 1]} : vector<32x8192xf32> to vector<32x128xf32>
      %gt3A_307 = arith.cmpf ogt, %slice3A_306, %select_n3A_302 : vector<32x128xf32>
      %select_n3A_308 = arith.select %gt3A_307, %slice3A_306, %select_n3A_302 : vector<32x128xi1>, vector<32x128xf32>
      %jit3A_309 = arith.constant 44 : i32
      %broadcast_in_dim3A_310 = vector.broadcast %jit3A_309 : i32 to vector<32x128xi32>
      %select_n3A_311 = arith.select %gt3A_307, %broadcast_in_dim3A_310, %select_n3A_305 : vector<32x128xi1>, vector<32x128xi32>
      %slice3A_312 = vector.extract_strided_slice %select_n3A {offsets = [0, 5760], sizes = [32, 128], strides = [1, 1]} : vector<32x8192xf32> to vector<32x128xf32>
      %gt3A_313 = arith.cmpf ogt, %slice3A_312, %select_n3A_308 : vector<32x128xf32>
      %select_n3A_314 = arith.select %gt3A_313, %slice3A_312, %select_n3A_308 : vector<32x128xi1>, vector<32x128xf32>
      %jit3A_315 = arith.constant 45 : i32
      %broadcast_in_dim3A_316 = vector.broadcast %jit3A_315 : i32 to vector<32x128xi32>
      %select_n3A_317 = arith.select %gt3A_313, %broadcast_in_dim3A_316, %select_n3A_311 : vector<32x128xi1>, vector<32x128xi32>
      %slice3A_318 = vector.extract_strided_slice %select_n3A {offsets = [0, 5888], sizes = [32, 128], strides = [1, 1]} : vector<32x8192xf32> to vector<32x128xf32>
      %gt3A_319 = arith.cmpf ogt, %slice3A_318, %select_n3A_314 : vector<32x128xf32>
      %select_n3A_320 = arith.select %gt3A_319, %slice3A_318, %select_n3A_314 : vector<32x128xi1>, vector<32x128xf32>
      %jit3A_321 = arith.constant 46 : i32
      %broadcast_in_dim3A_322 = vector.broadcast %jit3A_321 : i32 to vector<32x128xi32>
      %select_n3A_323 = arith.select %gt3A_319, %broadcast_in_dim3A_322, %select_n3A_317 : vector<32x128xi1>, vector<32x128xi32>
      %slice3A_324 = vector.extract_strided_slice %select_n3A {offsets = [0, 6016], sizes = [32, 128], strides = [1, 1]} : vector<32x8192xf32> to vector<32x128xf32>
      %gt3A_325 = arith.cmpf ogt, %slice3A_324, %select_n3A_320 : vector<32x128xf32>
      %select_n3A_326 = arith.select %gt3A_325, %slice3A_324, %select_n3A_320 : vector<32x128xi1>, vector<32x128xf32>
      %jit3A_327 = arith.constant 47 : i32
      %broadcast_in_dim3A_328 = vector.broadcast %jit3A_327 : i32 to vector<32x128xi32>
      %select_n3A_329 = arith.select %gt3A_325, %broadcast_in_dim3A_328, %select_n3A_323 : vector<32x128xi1>, vector<32x128xi32>
      %slice3A_330 = vector.extract_strided_slice %select_n3A {offsets = [0, 6144], sizes = [32, 128], strides = [1, 1]} : vector<32x8192xf32> to vector<32x128xf32>
      %gt3A_331 = arith.cmpf ogt, %slice3A_330, %select_n3A_326 : vector<32x128xf32>
      %select_n3A_332 = arith.select %gt3A_331, %slice3A_330, %select_n3A_326 : vector<32x128xi1>, vector<32x128xf32>
      %jit3A_333 = arith.constant 48 : i32
      %broadcast_in_dim3A_334 = vector.broadcast %jit3A_333 : i32 to vector<32x128xi32>
      %select_n3A_335 = arith.select %gt3A_331, %broadcast_in_dim3A_334, %select_n3A_329 : vector<32x128xi1>, vector<32x128xi32>
      %slice3A_336 = vector.extract_strided_slice %select_n3A {offsets = [0, 6272], sizes = [32, 128], strides = [1, 1]} : vector<32x8192xf32> to vector<32x128xf32>
      %gt3A_337 = arith.cmpf ogt, %slice3A_336, %select_n3A_332 : vector<32x128xf32>
      %select_n3A_338 = arith.select %gt3A_337, %slice3A_336, %select_n3A_332 : vector<32x128xi1>, vector<32x128xf32>
      %jit3A_339 = arith.constant 49 : i32
      %broadcast_in_dim3A_340 = vector.broadcast %jit3A_339 : i32 to vector<32x128xi32>
      %select_n3A_341 = arith.select %gt3A_337, %broadcast_in_dim3A_340, %select_n3A_335 : vector<32x128xi1>, vector<32x128xi32>
      %slice3A_342 = vector.extract_strided_slice %select_n3A {offsets = [0, 6400], sizes = [32, 128], strides = [1, 1]} : vector<32x8192xf32> to vector<32x128xf32>
      %gt3A_343 = arith.cmpf ogt, %slice3A_342, %select_n3A_338 : vector<32x128xf32>
      %select_n3A_344 = arith.select %gt3A_343, %slice3A_342, %select_n3A_338 : vector<32x128xi1>, vector<32x128xf32>
      %jit3A_345 = arith.constant 50 : i32
      %broadcast_in_dim3A_346 = vector.broadcast %jit3A_345 : i32 to vector<32x128xi32>
      %select_n3A_347 = arith.select %gt3A_343, %broadcast_in_dim3A_346, %select_n3A_341 : vector<32x128xi1>, vector<32x128xi32>
      %slice3A_348 = vector.extract_strided_slice %select_n3A {offsets = [0, 6528], sizes = [32, 128], strides = [1, 1]} : vector<32x8192xf32> to vector<32x128xf32>
      %gt3A_349 = arith.cmpf ogt, %slice3A_348, %select_n3A_344 : vector<32x128xf32>
      %select_n3A_350 = arith.select %gt3A_349, %slice3A_348, %select_n3A_344 : vector<32x128xi1>, vector<32x128xf32>
      %jit3A_351 = arith.constant 51 : i32
      %broadcast_in_dim3A_352 = vector.broadcast %jit3A_351 : i32 to vector<32x128xi32>
      %select_n3A_353 = arith.select %gt3A_349, %broadcast_in_dim3A_352, %select_n3A_347 : vector<32x128xi1>, vector<32x128xi32>
      %slice3A_354 = vector.extract_strided_slice %select_n3A {offsets = [0, 6656], sizes = [32, 128], strides = [1, 1]} : vector<32x8192xf32> to vector<32x128xf32>
      %gt3A_355 = arith.cmpf ogt, %slice3A_354, %select_n3A_350 : vector<32x128xf32>
      %select_n3A_356 = arith.select %gt3A_355, %slice3A_354, %select_n3A_350 : vector<32x128xi1>, vector<32x128xf32>
      %jit3A_357 = arith.constant 52 : i32
      %broadcast_in_dim3A_358 = vector.broadcast %jit3A_357 : i32 to vector<32x128xi32>
      %select_n3A_359 = arith.select %gt3A_355, %broadcast_in_dim3A_358, %select_n3A_353 : vector<32x128xi1>, vector<32x128xi32>
      %slice3A_360 = vector.extract_strided_slice %select_n3A {offsets = [0, 6784], sizes = [32, 128], strides = [1, 1]} : vector<32x8192xf32> to vector<32x128xf32>
      %gt3A_361 = arith.cmpf ogt, %slice3A_360, %select_n3A_356 : vector<32x128xf32>
      %select_n3A_362 = arith.select %gt3A_361, %slice3A_360, %select_n3A_356 : vector<32x128xi1>, vector<32x128xf32>
      %jit3A_363 = arith.constant 53 : i32
      %broadcast_in_dim3A_364 = vector.broadcast %jit3A_363 : i32 to vector<32x128xi32>
      %select_n3A_365 = arith.select %gt3A_361, %broadcast_in_dim3A_364, %select_n3A_359 : vector<32x128xi1>, vector<32x128xi32>
      %slice3A_366 = vector.extract_strided_slice %select_n3A {offsets = [0, 6912], sizes = [32, 128], strides = [1, 1]} : vector<32x8192xf32> to vector<32x128xf32>
      %gt3A_367 = arith.cmpf ogt, %slice3A_366, %select_n3A_362 : vector<32x128xf32>
      %select_n3A_368 = arith.select %gt3A_367, %slice3A_366, %select_n3A_362 : vector<32x128xi1>, vector<32x128xf32>
      %jit3A_369 = arith.constant 54 : i32
      %broadcast_in_dim3A_370 = vector.broadcast %jit3A_369 : i32 to vector<32x128xi32>
      %select_n3A_371 = arith.select %gt3A_367, %broadcast_in_dim3A_370, %select_n3A_365 : vector<32x128xi1>, vector<32x128xi32>
      %slice3A_372 = vector.extract_strided_slice %select_n3A {offsets = [0, 7040], sizes = [32, 128], strides = [1, 1]} : vector<32x8192xf32> to vector<32x128xf32>
      %gt3A_373 = arith.cmpf ogt, %slice3A_372, %select_n3A_368 : vector<32x128xf32>
      %select_n3A_374 = arith.select %gt3A_373, %slice3A_372, %select_n3A_368 : vector<32x128xi1>, vector<32x128xf32>
      %jit3A_375 = arith.constant 55 : i32
      %broadcast_in_dim3A_376 = vector.broadcast %jit3A_375 : i32 to vector<32x128xi32>
      %select_n3A_377 = arith.select %gt3A_373, %broadcast_in_dim3A_376, %select_n3A_371 : vector<32x128xi1>, vector<32x128xi32>
      %slice3A_378 = vector.extract_strided_slice %select_n3A {offsets = [0, 7168], sizes = [32, 128], strides = [1, 1]} : vector<32x8192xf32> to vector<32x128xf32>
      %gt3A_379 = arith.cmpf ogt, %slice3A_378, %select_n3A_374 : vector<32x128xf32>
      %select_n3A_380 = arith.select %gt3A_379, %slice3A_378, %select_n3A_374 : vector<32x128xi1>, vector<32x128xf32>
      %jit3A_381 = arith.constant 56 : i32
      %broadcast_in_dim3A_382 = vector.broadcast %jit3A_381 : i32 to vector<32x128xi32>
      %select_n3A_383 = arith.select %gt3A_379, %broadcast_in_dim3A_382, %select_n3A_377 : vector<32x128xi1>, vector<32x128xi32>
      %slice3A_384 = vector.extract_strided_slice %select_n3A {offsets = [0, 7296], sizes = [32, 128], strides = [1, 1]} : vector<32x8192xf32> to vector<32x128xf32>
      %gt3A_385 = arith.cmpf ogt, %slice3A_384, %select_n3A_380 : vector<32x128xf32>
      %select_n3A_386 = arith.select %gt3A_385, %slice3A_384, %select_n3A_380 : vector<32x128xi1>, vector<32x128xf32>
      %jit3A_387 = arith.constant 57 : i32
      %broadcast_in_dim3A_388 = vector.broadcast %jit3A_387 : i32 to vector<32x128xi32>
      %select_n3A_389 = arith.select %gt3A_385, %broadcast_in_dim3A_388, %select_n3A_383 : vector<32x128xi1>, vector<32x128xi32>
      %slice3A_390 = vector.extract_strided_slice %select_n3A {offsets = [0, 7424], sizes = [32, 128], strides = [1, 1]} : vector<32x8192xf32> to vector<32x128xf32>
      %gt3A_391 = arith.cmpf ogt, %slice3A_390, %select_n3A_386 : vector<32x128xf32>
      %select_n3A_392 = arith.select %gt3A_391, %slice3A_390, %select_n3A_386 : vector<32x128xi1>, vector<32x128xf32>
      %jit3A_393 = arith.constant 58 : i32
      %broadcast_in_dim3A_394 = vector.broadcast %jit3A_393 : i32 to vector<32x128xi32>
      %select_n3A_395 = arith.select %gt3A_391, %broadcast_in_dim3A_394, %select_n3A_389 : vector<32x128xi1>, vector<32x128xi32>
      %slice3A_396 = vector.extract_strided_slice %select_n3A {offsets = [0, 7552], sizes = [32, 128], strides = [1, 1]} : vector<32x8192xf32> to vector<32x128xf32>
      %gt3A_397 = arith.cmpf ogt, %slice3A_396, %select_n3A_392 : vector<32x128xf32>
      %select_n3A_398 = arith.select %gt3A_397, %slice3A_396, %select_n3A_392 : vector<32x128xi1>, vector<32x128xf32>
      %jit3A_399 = arith.constant 59 : i32
      %broadcast_in_dim3A_400 = vector.broadcast %jit3A_399 : i32 to vector<32x128xi32>
      %select_n3A_401 = arith.select %gt3A_397, %broadcast_in_dim3A_400, %select_n3A_395 : vector<32x128xi1>, vector<32x128xi32>
      %slice3A_402 = vector.extract_strided_slice %select_n3A {offsets = [0, 7680], sizes = [32, 128], strides = [1, 1]} : vector<32x8192xf32> to vector<32x128xf32>
      %gt3A_403 = arith.cmpf ogt, %slice3A_402, %select_n3A_398 : vector<32x128xf32>
      %select_n3A_404 = arith.select %gt3A_403, %slice3A_402, %select_n3A_398 : vector<32x128xi1>, vector<32x128xf32>
      %jit3A_405 = arith.constant 60 : i32
      %broadcast_in_dim3A_406 = vector.broadcast %jit3A_405 : i32 to vector<32x128xi32>
      %select_n3A_407 = arith.select %gt3A_403, %broadcast_in_dim3A_406, %select_n3A_401 : vector<32x128xi1>, vector<32x128xi32>
      %slice3A_408 = vector.extract_strided_slice %select_n3A {offsets = [0, 7808], sizes = [32, 128], strides = [1, 1]} : vector<32x8192xf32> to vector<32x128xf32>
      %gt3A_409 = arith.cmpf ogt, %slice3A_408, %select_n3A_404 : vector<32x128xf32>
      %select_n3A_410 = arith.select %gt3A_409, %slice3A_408, %select_n3A_404 : vector<32x128xi1>, vector<32x128xf32>
      %jit3A_411 = arith.constant 61 : i32
      %broadcast_in_dim3A_412 = vector.broadcast %jit3A_411 : i32 to vector<32x128xi32>
      %select_n3A_413 = arith.select %gt3A_409, %broadcast_in_dim3A_412, %select_n3A_407 : vector<32x128xi1>, vector<32x128xi32>
      %slice3A_414 = vector.extract_strided_slice %select_n3A {offsets = [0, 7936], sizes = [32, 128], strides = [1, 1]} : vector<32x8192xf32> to vector<32x128xf32>
      %gt3A_415 = arith.cmpf ogt, %slice3A_414, %select_n3A_410 : vector<32x128xf32>
      %select_n3A_416 = arith.select %gt3A_415, %slice3A_414, %select_n3A_410 : vector<32x128xi1>, vector<32x128xf32>
      %jit3A_417 = arith.constant 62 : i32
      %broadcast_in_dim3A_418 = vector.broadcast %jit3A_417 : i32 to vector<32x128xi32>
      %select_n3A_419 = arith.select %gt3A_415, %broadcast_in_dim3A_418, %select_n3A_413 : vector<32x128xi1>, vector<32x128xi32>
      %slice3A_420 = vector.extract_strided_slice %select_n3A {offsets = [0, 8064], sizes = [32, 128], strides = [1, 1]} : vector<32x8192xf32> to vector<32x128xf32>
      %gt3A_421 = arith.cmpf ogt, %slice3A_420, %select_n3A_416 : vector<32x128xf32>
      %select_n3A_422 = arith.select %gt3A_421, %slice3A_420, %select_n3A_416 : vector<32x128xi1>, vector<32x128xf32>
      %jit3A_423 = arith.constant 63 : i32
      %broadcast_in_dim3A_424 = vector.broadcast %jit3A_423 : i32 to vector<32x128xi32>
      %select_n3A_425 = arith.select %gt3A_421, %broadcast_in_dim3A_424, %select_n3A_419 : vector<32x128xi1>, vector<32x128xi32>
      %iota3A_426 = tpu.iota {dimensions = array<i32: 1>} : vector<32x128xi32>
      %mul3A_427 = arith.constant 128 : i32
      %mul3A_428 = vector.broadcast %mul3A_427 : i32 to vector<32x128xi32>
      %mul3A_429 = arith.muli %select_n3A_425, %mul3A_428 : vector<32x128xi32>
      %add3A_430 = arith.addi %mul3A_429, %iota3A_426 : vector<32x128xi32>
      %mul3A_431 = arith.constant 8192 : i32
      %mul3A_432 = arith.muli %arg0, %mul3A_431 : i32
      %add3A_433 = vector.broadcast %mul3A_432 : i32 to vector<32x128xi32>
      %add3A_434 = arith.addi %add3A_430, %add3A_433 : vector<32x128xi32>
      %reduce_max3A_435 = arith.constant dense<0xFF800000> : vector<32xf32>
      %reduce_max3A_436 = vector.multi_reduction <maximumf>, %select_n3A_422, %reduce_max3A_435 [1] : vector<32x128xf32> to vector<32xf32>
      %broadcast_in_dim3A_437 = vector.shape_cast %reduce_max3A_436 : vector<32xf32> to vector<32x1xf32>
      %eq3A_438 = vector.broadcast %broadcast_in_dim3A_437 : vector<32x1xf32> to vector<32x128xf32>
      %eq3A_439 = arith.cmpf oeq, %select_n3A_422, %eq3A_438 : vector<32x128xf32>
      %jit3A_440 = arith.constant 2147483647 : i32
      %broadcast_in_dim3A_441 = vector.broadcast %jit3A_440 : i32 to vector<32x128xi32>
      %select_n3A_442 = arith.select %eq3A_439, %add3A_434, %broadcast_in_dim3A_441 : vector<32x128xi1>, vector<32x128xi32>
      %reduce_min3A = arith.constant dense<2147483647> : vector<32xi32>
      %reduce_min3A_443 = vector.multi_reduction <minsi>, %select_n3A_442, %reduce_min3A [1] : vector<32x128xi32> to vector<32xi32>
      %broadcast_in_dim3A_444 = vector.shape_cast %reduce_min3A_443 : vector<32xi32> to vector<32x1xi32>
      %eq3A_445 = vector.broadcast %broadcast_in_dim3A_444 : vector<32x1xi32> to vector<32x128xi32>
      %eq3A_446 = arith.cmpi eq, %add3A_434, %eq3A_445 : vector<32x128xi32>
      %jit3A_447 = arith.constant 0xFF800000 : f32
      %broadcast_in_dim3A_448 = vector.broadcast %jit3A_447 : f32 to vector<32x128xf32>
      %select_n3A_449 = arith.select %eq3A_446, %broadcast_in_dim3A_448, %select_n3A_422 : vector<32x128xi1>, vector<32x128xf32>
      %reduce_max3A_450 = arith.constant dense<0xFF800000> : vector<32xf32>
      %reduce_max3A_451 = vector.multi_reduction <maximumf>, %select_n3A_449, %reduce_max3A_450 [1] : vector<32x128xf32> to vector<32xf32>
      %broadcast_in_dim3A_452 = vector.shape_cast %reduce_max3A_451 : vector<32xf32> to vector<32x1xf32>
      %eq3A_453 = vector.broadcast %broadcast_in_dim3A_452 : vector<32x1xf32> to vector<32x128xf32>
      %eq3A_454 = arith.cmpf oeq, %select_n3A_449, %eq3A_453 : vector<32x128xf32>
      %jit3A_455 = arith.constant 2147483647 : i32
      %broadcast_in_dim3A_456 = vector.broadcast %jit3A_455 : i32 to vector<32x128xi32>
      %select_n3A_457 = arith.select %eq3A_454, %add3A_434, %broadcast_in_dim3A_456 : vector<32x128xi1>, vector<32x128xi32>
      %reduce_min3A_458 = arith.constant dense<2147483647> : vector<32xi32>
      %reduce_min3A_459 = vector.multi_reduction <minsi>, %select_n3A_457, %reduce_min3A_458 [1] : vector<32x128xi32> to vector<32xi32>
      %broadcast_in_dim3A_460 = vector.shape_cast %reduce_min3A_459 : vector<32xi32> to vector<32x1xi32>
      %eq3A_461 = vector.broadcast %broadcast_in_dim3A_460 : vector<32x1xi32> to vector<32x128xi32>
      %eq3A_462 = arith.cmpi eq, %add3A_434, %eq3A_461 : vector<32x128xi32>
      %jit3A_463 = arith.constant 0xFF800000 : f32
      %broadcast_in_dim3A_464 = vector.broadcast %jit3A_463 : f32 to vector<32x128xf32>
      %select_n3A_465 = arith.select %eq3A_462, %broadcast_in_dim3A_464, %select_n3A_449 : vector<32x128xi1>, vector<32x128xf32>
      %reduce_max3A_466 = arith.constant dense<0xFF800000> : vector<32xf32>
      %reduce_max3A_467 = vector.multi_reduction <maximumf>, %select_n3A_465, %reduce_max3A_466 [1] : vector<32x128xf32> to vector<32xf32>
      %broadcast_in_dim3A_468 = vector.shape_cast %reduce_max3A_467 : vector<32xf32> to vector<32x1xf32>
      %eq3A_469 = vector.broadcast %broadcast_in_dim3A_468 : vector<32x1xf32> to vector<32x128xf32>
      %eq3A_470 = arith.cmpf oeq, %select_n3A_465, %eq3A_469 : vector<32x128xf32>
      %jit3A_471 = arith.constant 2147483647 : i32
      %broadcast_in_dim3A_472 = vector.broadcast %jit3A_471 : i32 to vector<32x128xi32>
      %select_n3A_473 = arith.select %eq3A_470, %add3A_434, %broadcast_in_dim3A_472 : vector<32x128xi1>, vector<32x128xi32>
      %reduce_min3A_474 = arith.constant dense<2147483647> : vector<32xi32>
      %reduce_min3A_475 = vector.multi_reduction <minsi>, %select_n3A_473, %reduce_min3A_474 [1] : vector<32x128xi32> to vector<32xi32>
      %broadcast_in_dim3A_476 = vector.shape_cast %reduce_min3A_475 : vector<32xi32> to vector<32x1xi32>
      %eq3A_477 = vector.broadcast %broadcast_in_dim3A_476 : vector<32x1xi32> to vector<32x128xi32>
      %eq3A_478 = arith.cmpi eq, %add3A_434, %eq3A_477 : vector<32x128xi32>
      %jit3A_479 = arith.constant 0xFF800000 : f32
      %broadcast_in_dim3A_480 = vector.broadcast %jit3A_479 : f32 to vector<32x128xf32>
      %select_n3A_481 = arith.select %eq3A_478, %broadcast_in_dim3A_480, %select_n3A_465 : vector<32x128xi1>, vector<32x128xf32>
      %reduce_max3A_482 = arith.constant dense<0xFF800000> : vector<32xf32>
      %reduce_max3A_483 = vector.multi_reduction <maximumf>, %select_n3A_481, %reduce_max3A_482 [1] : vector<32x128xf32> to vector<32xf32>
      %broadcast_in_dim3A_484 = vector.shape_cast %reduce_max3A_483 : vector<32xf32> to vector<32x1xf32>
      %eq3A_485 = vector.broadcast %broadcast_in_dim3A_484 : vector<32x1xf32> to vector<32x128xf32>
      %eq3A_486 = arith.cmpf oeq, %select_n3A_481, %eq3A_485 : vector<32x128xf32>
      %jit3A_487 = arith.constant 2147483647 : i32
      %broadcast_in_dim3A_488 = vector.broadcast %jit3A_487 : i32 to vector<32x128xi32>
      %select_n3A_489 = arith.select %eq3A_486, %add3A_434, %broadcast_in_dim3A_488 : vector<32x128xi1>, vector<32x128xi32>
      %reduce_min3A_490 = arith.constant dense<2147483647> : vector<32xi32>
      %reduce_min3A_491 = vector.multi_reduction <minsi>, %select_n3A_489, %reduce_min3A_490 [1] : vector<32x128xi32> to vector<32xi32>
      %broadcast_in_dim3A_492 = vector.shape_cast %reduce_min3A_491 : vector<32xi32> to vector<32x1xi32>
      %eq3A_493 = vector.broadcast %broadcast_in_dim3A_492 : vector<32x1xi32> to vector<32x128xi32>
      %eq3A_494 = arith.cmpi eq, %add3A_434, %eq3A_493 : vector<32x128xi32>
      %jit3A_495 = arith.constant 0xFF800000 : f32
      %broadcast_in_dim3A_496 = vector.broadcast %jit3A_495 : f32 to vector<32x128xf32>
      %select_n3A_497 = arith.select %eq3A_494, %broadcast_in_dim3A_496, %select_n3A_481 : vector<32x128xi1>, vector<32x128xf32>
      %reduce_max3A_498 = arith.constant dense<0xFF800000> : vector<32xf32>
      %reduce_max3A_499 = vector.multi_reduction <maximumf>, %select_n3A_497, %reduce_max3A_498 [1] : vector<32x128xf32> to vector<32xf32>
      %broadcast_in_dim3A_500 = vector.shape_cast %reduce_max3A_499 : vector<32xf32> to vector<32x1xf32>
      %eq3A_501 = vector.broadcast %broadcast_in_dim3A_500 : vector<32x1xf32> to vector<32x128xf32>
      %eq3A_502 = arith.cmpf oeq, %select_n3A_497, %eq3A_501 : vector<32x128xf32>
      %jit3A_503 = arith.constant 2147483647 : i32
      %broadcast_in_dim3A_504 = vector.broadcast %jit3A_503 : i32 to vector<32x128xi32>
      %select_n3A_505 = arith.select %eq3A_502, %add3A_434, %broadcast_in_dim3A_504 : vector<32x128xi1>, vector<32x128xi32>
      %reduce_min3A_506 = arith.constant dense<2147483647> : vector<32xi32>
      %reduce_min3A_507 = vector.multi_reduction <minsi>, %select_n3A_505, %reduce_min3A_506 [1] : vector<32x128xi32> to vector<32xi32>
      %broadcast_in_dim3A_508 = vector.shape_cast %reduce_min3A_507 : vector<32xi32> to vector<32x1xi32>
      %ge3A = vector.broadcast %broadcast_in_dim3A_500 : vector<32x1xf32> to vector<32x8192xf32>
      %ge3A_509 = arith.cmpf oge, %select_n3A, %ge3A : vector<32x8192xf32>
      %jit3A_510 = arith.constant 1.000000e+00 : f32
      %jit3A_511 = arith.constant 0.000000e+00 : f32
      %broadcast_in_dim3A_512 = vector.broadcast %jit3A_510 : f32 to vector<32x8192xf32>
      %broadcast_in_dim3A_513 = vector.broadcast %jit3A_511 : f32 to vector<32x8192xf32>
      %select_n3A_514 = arith.select %ge3A_509, %broadcast_in_dim3A_512, %broadcast_in_dim3A_513 : vector<32x8192xi1>, vector<32x8192xf32>
      %reduce_sum3A = arith.constant dense<0.000000e+00> : vector<32xf32>
      %reduce_sum3A_515 = vector.multi_reduction <add>, %select_n3A_514, %reduce_sum3A [1] : vector<32x8192xf32> to vector<32xf32>
      %broadcast_in_dim3A_516 = vector.shape_cast %reduce_sum3A_515 : vector<32xf32> to vector<32x1xf32>
      %eq3A_517 = arith.constant 5.000000e+00 : f32
      %eq3A_518 = vector.broadcast %eq3A_517 : f32 to vector<32x1xf32>
      %eq3A_519 = arith.cmpf oeq, %broadcast_in_dim3A_516, %eq3A_518 : vector<32x1xf32>
      %reduce_and3A = arith.constant 1.000000e+00 : f32
      %reduce_and3A_520 = arith.constant 0.000000e+00 : f32
      %reduce_and3A_521 = vector.broadcast %reduce_and3A : f32 to vector<32x1xf32>
      %reduce_and3A_522 = vector.broadcast %reduce_and3A_520 : f32 to vector<32x1xf32>
      %reduce_and3A_523 = arith.select %eq3A_519, %reduce_and3A_521, %reduce_and3A_522 : vector<32x1xi1>, vector<32x1xf32>
      %reduce_and3A_524 = vector.shape_cast %reduce_and3A_523 : vector<32x1xf32> to vector<1x32x1xf32>
      %reduce_and3A_525 = arith.constant dense<0x7F800000> : vector<1xf32>
      %reduce_and3A_526 = vector.multi_reduction <minimumf>, %reduce_and3A_524, %reduce_and3A_525 [1, 2] : vector<1x32x1xf32> to vector<1xf32>
      %reduce_and3A_527 = vector.shape_cast %reduce_and3A_526 : vector<1xf32> to vector<1x1x1xf32>
      %reduce_and3A_528 = vector.extract %reduce_and3A_527[0, 0, 0] : f32 from vector<1x1x1xf32>
      %reduce_and3A_529 = arith.constant 0.000000e+00 : f32
      %reduce_and3A_530 = arith.cmpf ogt, %reduce_and3A_528, %reduce_and3A_529 : f32
      %convert_element_type3A_531 = arith.extui %reduce_and3A_530 : i1 to i32
      %cond3A_532 = arith.constant 0 : i32
      %cond3A_533 = arith.cmpi ne, %convert_element_type3A_531, %cond3A_532 : i32
      scf.if %cond3A_533 {
        %get3A_538 = arith.constant 0 : index
        %get3A_539 = arith.constant 0 : index
        %get3A_540 = vector.load %arg7[%get3A_538, %get3A_539] : memref<32x8xf32, #tpu.memory_space<vmem>>, vector<32x8xf32>
        %concatenate3A = tpu.concatenate %get3A_540, %broadcast_in_dim3A_437, %broadcast_in_dim3A_452, %broadcast_in_dim3A_468, %broadcast_in_dim3A_484, %broadcast_in_dim3A_500 in 1 : vector<32x8xf32>, vector<32x1xf32>, vector<32x1xf32>, vector<32x1xf32>, vector<32x1xf32>, vector<32x1xf32> -> vector<32x13xf32>
        %get3A_541 = arith.constant 0 : index
        %get3A_542 = arith.constant 0 : index
        %get3A_543 = vector.load %arg5[%get3A_541, %get3A_542] : memref<32x8xi32, #tpu.memory_space<vmem>>, vector<32x8xi32>
        %concatenate3A_544 = tpu.concatenate %get3A_543, %broadcast_in_dim3A_444, %broadcast_in_dim3A_460, %broadcast_in_dim3A_476, %broadcast_in_dim3A_492, %broadcast_in_dim3A_508 in 1 : vector<32x8xi32>, vector<32x1xi32>, vector<32x1xi32>, vector<32x1xi32>, vector<32x1xi32>, vector<32x1xi32> -> vector<32x13xi32>
        %reduce_max3A_545 = arith.constant dense<0xFF800000> : vector<32xf32>
        %reduce_max3A_546 = vector.multi_reduction <maximumf>, %concatenate3A, %reduce_max3A_545 [1] : vector<32x13xf32> to vector<32xf32>
        %broadcast_in_dim3A_547 = vector.shape_cast %reduce_max3A_546 : vector<32xf32> to vector<32x1xf32>
        %eq3A_548 = vector.broadcast %broadcast_in_dim3A_547 : vector<32x1xf32> to vector<32x13xf32>
        %eq3A_549 = arith.cmpf oeq, %concatenate3A, %eq3A_548 : vector<32x13xf32>
        %jit3A_550 = arith.constant 2147483647 : i32
        %broadcast_in_dim3A_551 = vector.broadcast %jit3A_550 : i32 to vector<32x13xi32>
        %select_n3A_552 = arith.select %eq3A_549, %concatenate3A_544, %broadcast_in_dim3A_551 : vector<32x13xi1>, vector<32x13xi32>
        %reduce_min3A_553 = arith.constant dense<2147483647> : vector<32xi32>
        %reduce_min3A_554 = vector.multi_reduction <minsi>, %select_n3A_552, %reduce_min3A_553 [1] : vector<32x13xi32> to vector<32xi32>
        %broadcast_in_dim3A_555 = vector.shape_cast %reduce_min3A_554 : vector<32xi32> to vector<32x1xi32>
        %eq3A_556 = vector.broadcast %broadcast_in_dim3A_555 : vector<32x1xi32> to vector<32x13xi32>
        %eq3A_557 = arith.cmpi eq, %concatenate3A_544, %eq3A_556 : vector<32x13xi32>
        %jit3A_558 = arith.constant 0xFF800000 : f32
        %broadcast_in_dim3A_559 = vector.broadcast %jit3A_558 : f32 to vector<32x13xf32>
        %select_n3A_560 = arith.select %eq3A_557, %broadcast_in_dim3A_559, %concatenate3A : vector<32x13xi1>, vector<32x13xf32>
        %reduce_max3A_561 = arith.constant dense<0xFF800000> : vector<32xf32>
        %reduce_max3A_562 = vector.multi_reduction <maximumf>, %select_n3A_560, %reduce_max3A_561 [1] : vector<32x13xf32> to vector<32xf32>
        %broadcast_in_dim3A_563 = vector.shape_cast %reduce_max3A_562 : vector<32xf32> to vector<32x1xf32>
        %eq3A_564 = vector.broadcast %broadcast_in_dim3A_563 : vector<32x1xf32> to vector<32x13xf32>
        %eq3A_565 = arith.cmpf oeq, %select_n3A_560, %eq3A_564 : vector<32x13xf32>
        %jit3A_566 = arith.constant 2147483647 : i32
        %broadcast_in_dim3A_567 = vector.broadcast %jit3A_566 : i32 to vector<32x13xi32>
        %select_n3A_568 = arith.select %eq3A_565, %concatenate3A_544, %broadcast_in_dim3A_567 : vector<32x13xi1>, vector<32x13xi32>
        %reduce_min3A_569 = arith.constant dense<2147483647> : vector<32xi32>
        %reduce_min3A_570 = vector.multi_reduction <minsi>, %select_n3A_568, %reduce_min3A_569 [1] : vector<32x13xi32> to vector<32xi32>
        %broadcast_in_dim3A_571 = vector.shape_cast %reduce_min3A_570 : vector<32xi32> to vector<32x1xi32>
        %eq3A_572 = vector.broadcast %broadcast_in_dim3A_571 : vector<32x1xi32> to vector<32x13xi32>
        %eq3A_573 = arith.cmpi eq, %concatenate3A_544, %eq3A_572 : vector<32x13xi32>
        %jit3A_574 = arith.constant 0xFF800000 : f32
        %broadcast_in_dim3A_575 = vector.broadcast %jit3A_574 : f32 to vector<32x13xf32>
        %select_n3A_576 = arith.select %eq3A_573, %broadcast_in_dim3A_575, %select_n3A_560 : vector<32x13xi1>, vector<32x13xf32>
        %reduce_max3A_577 = arith.constant dense<0xFF800000> : vector<32xf32>
        %reduce_max3A_578 = vector.multi_reduction <maximumf>, %select_n3A_576, %reduce_max3A_577 [1] : vector<32x13xf32> to vector<32xf32>
        %broadcast_in_dim3A_579 = vector.shape_cast %reduce_max3A_578 : vector<32xf32> to vector<32x1xf32>
        %eq3A_580 = vector.broadcast %broadcast_in_dim3A_579 : vector<32x1xf32> to vector<32x13xf32>
        %eq3A_581 = arith.cmpf oeq, %select_n3A_576, %eq3A_580 : vector<32x13xf32>
        %jit3A_582 = arith.constant 2147483647 : i32
        %broadcast_in_dim3A_583 = vector.broadcast %jit3A_582 : i32 to vector<32x13xi32>
        %select_n3A_584 = arith.select %eq3A_581, %concatenate3A_544, %broadcast_in_dim3A_583 : vector<32x13xi1>, vector<32x13xi32>
        %reduce_min3A_585 = arith.constant dense<2147483647> : vector<32xi32>
        %reduce_min3A_586 = vector.multi_reduction <minsi>, %select_n3A_584, %reduce_min3A_585 [1] : vector<32x13xi32> to vector<32xi32>
        %broadcast_in_dim3A_587 = vector.shape_cast %reduce_min3A_586 : vector<32xi32> to vector<32x1xi32>
        %eq3A_588 = vector.broadcast %broadcast_in_dim3A_587 : vector<32x1xi32> to vector<32x13xi32>
        %eq3A_589 = arith.cmpi eq, %concatenate3A_544, %eq3A_588 : vector<32x13xi32>
        %jit3A_590 = arith.constant 0xFF800000 : f32
        %broadcast_in_dim3A_591 = vector.broadcast %jit3A_590 : f32 to vector<32x13xf32>
        %select_n3A_592 = arith.select %eq3A_589, %broadcast_in_dim3A_591, %select_n3A_576 : vector<32x13xi1>, vector<32x13xf32>
        %reduce_max3A_593 = arith.constant dense<0xFF800000> : vector<32xf32>
        %reduce_max3A_594 = vector.multi_reduction <maximumf>, %select_n3A_592, %reduce_max3A_593 [1] : vector<32x13xf32> to vector<32xf32>
        %broadcast_in_dim3A_595 = vector.shape_cast %reduce_max3A_594 : vector<32xf32> to vector<32x1xf32>
        %eq3A_596 = vector.broadcast %broadcast_in_dim3A_595 : vector<32x1xf32> to vector<32x13xf32>
        %eq3A_597 = arith.cmpf oeq, %select_n3A_592, %eq3A_596 : vector<32x13xf32>
        %jit3A_598 = arith.constant 2147483647 : i32
        %broadcast_in_dim3A_599 = vector.broadcast %jit3A_598 : i32 to vector<32x13xi32>
        %select_n3A_600 = arith.select %eq3A_597, %concatenate3A_544, %broadcast_in_dim3A_599 : vector<32x13xi1>, vector<32x13xi32>
        %reduce_min3A_601 = arith.constant dense<2147483647> : vector<32xi32>
        %reduce_min3A_602 = vector.multi_reduction <minsi>, %select_n3A_600, %reduce_min3A_601 [1] : vector<32x13xi32> to vector<32xi32>
        %broadcast_in_dim3A_603 = vector.shape_cast %reduce_min3A_602 : vector<32xi32> to vector<32x1xi32>
        %eq3A_604 = vector.broadcast %broadcast_in_dim3A_603 : vector<32x1xi32> to vector<32x13xi32>
        %eq3A_605 = arith.cmpi eq, %concatenate3A_544, %eq3A_604 : vector<32x13xi32>
        %jit3A_606 = arith.constant 0xFF800000 : f32
        %broadcast_in_dim3A_607 = vector.broadcast %jit3A_606 : f32 to vector<32x13xf32>
        %select_n3A_608 = arith.select %eq3A_605, %broadcast_in_dim3A_607, %select_n3A_592 : vector<32x13xi1>, vector<32x13xf32>
        %reduce_max3A_609 = arith.constant dense<0xFF800000> : vector<32xf32>
        %reduce_max3A_610 = vector.multi_reduction <maximumf>, %select_n3A_608, %reduce_max3A_609 [1] : vector<32x13xf32> to vector<32xf32>
        %broadcast_in_dim3A_611 = vector.shape_cast %reduce_max3A_610 : vector<32xf32> to vector<32x1xf32>
        %eq3A_612 = vector.broadcast %broadcast_in_dim3A_611 : vector<32x1xf32> to vector<32x13xf32>
        %eq3A_613 = arith.cmpf oeq, %select_n3A_608, %eq3A_612 : vector<32x13xf32>
        %jit3A_614 = arith.constant 2147483647 : i32
        %broadcast_in_dim3A_615 = vector.broadcast %jit3A_614 : i32 to vector<32x13xi32>
        %select_n3A_616 = arith.select %eq3A_613, %concatenate3A_544, %broadcast_in_dim3A_615 : vector<32x13xi1>, vector<32x13xi32>
        %reduce_min3A_617 = arith.constant dense<2147483647> : vector<32xi32>
        %reduce_min3A_618 = vector.multi_reduction <minsi>, %select_n3A_616, %reduce_min3A_617 [1] : vector<32x13xi32> to vector<32xi32>
        %broadcast_in_dim3A_619 = vector.shape_cast %reduce_min3A_618 : vector<32xi32> to vector<32x1xi32>
        %broadcast_in_dim3A_620 = arith.constant 0xFF800000 : f32
        %broadcast_in_dim3A_621 = vector.broadcast %broadcast_in_dim3A_620 : f32 to vector<32x3xf32>
        %broadcast_in_dim3A_622 = arith.constant 0 : i32
        %broadcast_in_dim3A_623 = vector.broadcast %broadcast_in_dim3A_622 : i32 to vector<32x3xi32>
        %concatenate3A_624 = tpu.concatenate %broadcast_in_dim3A_547, %broadcast_in_dim3A_563, %broadcast_in_dim3A_579, %broadcast_in_dim3A_595, %broadcast_in_dim3A_611, %broadcast_in_dim3A_621 in 1 : vector<32x1xf32>, vector<32x1xf32>, vector<32x1xf32>, vector<32x1xf32>, vector<32x1xf32>, vector<32x3xf32> -> vector<32x8xf32>
        %swap3A_625 = arith.constant 0 : index
        %swap3A_626 = arith.constant 0 : index
        %swap3A_627 = vector.load %arg7[%swap3A_625, %swap3A_626] : memref<32x8xf32, #tpu.memory_space<vmem>>, vector<32x8xf32>
        tpu.vector_store %arg7[%swap3A_625, %swap3A_626], %concatenate3A_624 {strides = array<i32>} : memref<32x8xf32, #tpu.memory_space<vmem>>, vector<32x8xf32>,
        %concatenate3A_628 = tpu.concatenate %broadcast_in_dim3A_555, %broadcast_in_dim3A_571, %broadcast_in_dim3A_587, %broadcast_in_dim3A_603, %broadcast_in_dim3A_619, %broadcast_in_dim3A_623 in 1 : vector<32x1xi32>, vector<32x1xi32>, vector<32x1xi32>, vector<32x1xi32>, vector<32x1xi32>, vector<32x3xi32> -> vector<32x8xi32>
        %swap3A_629 = arith.constant 0 : index
        %swap3A_630 = arith.constant 0 : index
        %swap3A_631 = vector.load %arg5[%swap3A_629, %swap3A_630] : memref<32x8xi32, #tpu.memory_space<vmem>>, vector<32x8xi32>
        tpu.vector_store %arg5[%swap3A_629, %swap3A_630], %concatenate3A_628 {strides = array<i32>} : memref<32x8xi32, #tpu.memory_space<vmem>>, vector<32x8xi32>,
        %swap3A_632 = arith.constant 0 : index
        %swap3A_633 = arith.constant 0 : index
        %swap3A_634 = vector.load %arg6[%swap3A_632, %swap3A_633] : memref<32x1xf32, #tpu.memory_space<vmem>>, vector<32x1xf32>
        tpu.vector_store %arg6[%swap3A_632, %swap3A_633], %broadcast_in_dim3A_611 {strides = array<i32>} : memref<32x1xf32, #tpu.memory_space<vmem>>, vector<32x1xf32>,
      } else {
      }
      %not3A = arith.constant true
      %not3A_534 = arith.xori %reduce_and3A_530, %not3A : i1
      %convert_element_type3A_535 = arith.extui %not3A_534 : i1 to i32
      %cond3A_536 = arith.constant 0 : i32
      %cond3A_537 = arith.cmpi ne, %convert_element_type3A_535, %cond3A_536 : i32
      scf.if %cond3A_537 {
        %reduce_max3A_538 = arith.constant dense<0xFF800000> : vector<32xf32>
        %reduce_max3A_539 = vector.multi_reduction <maximumf>, %select_n3A, %reduce_max3A_538 [1] : vector<32x8192xf32> to vector<32xf32>
        %broadcast_in_dim3A_540 = vector.shape_cast %reduce_max3A_539 : vector<32xf32> to vector<32x1xf32>
        %eq3A_541 = vector.broadcast %broadcast_in_dim3A_540 : vector<32x1xf32> to vector<32x8192xf32>
        %eq3A_542 = arith.cmpf oeq, %select_n3A, %eq3A_541 : vector<32x8192xf32>
        %jit3A_543 = arith.constant 2147483647 : i32
        %broadcast_in_dim3A_544 = vector.broadcast %jit3A_543 : i32 to vector<32x8192xi32>
        %select_n3A_545 = arith.select %eq3A_542, %add3A_23, %broadcast_in_dim3A_544 : vector<32x8192xi1>, vector<32x8192xi32>
        %reduce_min3A_546 = arith.constant dense<2147483647> : vector<32xi32>
        %reduce_min3A_547 = vector.multi_reduction <minsi>, %select_n3A_545, %reduce_min3A_546 [1] : vector<32x8192xi32> to vector<32xi32>
        %broadcast_in_dim3A_548 = vector.shape_cast %reduce_min3A_547 : vector<32xi32> to vector<32x1xi32>
        %eq3A_549 = vector.broadcast %broadcast_in_dim3A_548 : vector<32x1xi32> to vector<32x8192xi32>
        %eq3A_550 = arith.cmpi eq, %add3A_23, %eq3A_549 : vector<32x8192xi32>
        %jit3A_551 = arith.constant 0xFF800000 : f32
        %broadcast_in_dim3A_552 = vector.broadcast %jit3A_551 : f32 to vector<32x8192xf32>
        %select_n3A_553 = arith.select %eq3A_550, %broadcast_in_dim3A_552, %select_n3A : vector<32x8192xi1>, vector<32x8192xf32>
        %reduce_max3A_554 = arith.constant dense<0xFF800000> : vector<32xf32>
        %reduce_max3A_555 = vector.multi_reduction <maximumf>, %select_n3A_553, %reduce_max3A_554 [1] : vector<32x8192xf32> to vector<32xf32>
        %broadcast_in_dim3A_556 = vector.shape_cast %reduce_max3A_555 : vector<32xf32> to vector<32x1xf32>
        %eq3A_557 = vector.broadcast %broadcast_in_dim3A_556 : vector<32x1xf32> to vector<32x8192xf32>
        %eq3A_558 = arith.cmpf oeq, %select_n3A_553, %eq3A_557 : vector<32x8192xf32>
        %jit3A_559 = arith.constant 2147483647 : i32
        %broadcast_in_dim3A_560 = vector.broadcast %jit3A_559 : i32 to vector<32x8192xi32>
        %select_n3A_561 = arith.select %eq3A_558, %add3A_23, %broadcast_in_dim3A_560 : vector<32x8192xi1>, vector<32x8192xi32>
        %reduce_min3A_562 = arith.constant dense<2147483647> : vector<32xi32>
        %reduce_min3A_563 = vector.multi_reduction <minsi>, %select_n3A_561, %reduce_min3A_562 [1] : vector<32x8192xi32> to vector<32xi32>
        %broadcast_in_dim3A_564 = vector.shape_cast %reduce_min3A_563 : vector<32xi32> to vector<32x1xi32>
        %eq3A_565 = vector.broadcast %broadcast_in_dim3A_564 : vector<32x1xi32> to vector<32x8192xi32>
        %eq3A_566 = arith.cmpi eq, %add3A_23, %eq3A_565 : vector<32x8192xi32>
        %jit3A_567 = arith.constant 0xFF800000 : f32
        %broadcast_in_dim3A_568 = vector.broadcast %jit3A_567 : f32 to vector<32x8192xf32>
        %select_n3A_569 = arith.select %eq3A_566, %broadcast_in_dim3A_568, %select_n3A_553 : vector<32x8192xi1>, vector<32x8192xf32>
        %reduce_max3A_570 = arith.constant dense<0xFF800000> : vector<32xf32>
        %reduce_max3A_571 = vector.multi_reduction <maximumf>, %select_n3A_569, %reduce_max3A_570 [1] : vector<32x8192xf32> to vector<32xf32>
        %broadcast_in_dim3A_572 = vector.shape_cast %reduce_max3A_571 : vector<32xf32> to vector<32x1xf32>
        %eq3A_573 = vector.broadcast %broadcast_in_dim3A_572 : vector<32x1xf32> to vector<32x8192xf32>
        %eq3A_574 = arith.cmpf oeq, %select_n3A_569, %eq3A_573 : vector<32x8192xf32>
        %jit3A_575 = arith.constant 2147483647 : i32
        %broadcast_in_dim3A_576 = vector.broadcast %jit3A_575 : i32 to vector<32x8192xi32>
        %select_n3A_577 = arith.select %eq3A_574, %add3A_23, %broadcast_in_dim3A_576 : vector<32x8192xi1>, vector<32x8192xi32>
        %reduce_min3A_578 = arith.constant dense<2147483647> : vector<32xi32>
        %reduce_min3A_579 = vector.multi_reduction <minsi>, %select_n3A_577, %reduce_min3A_578 [1] : vector<32x8192xi32> to vector<32xi32>
        %broadcast_in_dim3A_580 = vector.shape_cast %reduce_min3A_579 : vector<32xi32> to vector<32x1xi32>
        %eq3A_581 = vector.broadcast %broadcast_in_dim3A_580 : vector<32x1xi32> to vector<32x8192xi32>
        %eq3A_582 = arith.cmpi eq, %add3A_23, %eq3A_581 : vector<32x8192xi32>
        %jit3A_583 = arith.constant 0xFF800000 : f32
        %broadcast_in_dim3A_584 = vector.broadcast %jit3A_583 : f32 to vector<32x8192xf32>
        %select_n3A_585 = arith.select %eq3A_582, %broadcast_in_dim3A_584, %select_n3A_569 : vector<32x8192xi1>, vector<32x8192xf32>
        %reduce_max3A_586 = arith.constant dense<0xFF800000> : vector<32xf32>
        %reduce_max3A_587 = vector.multi_reduction <maximumf>, %select_n3A_585, %reduce_max3A_586 [1] : vector<32x8192xf32> to vector<32xf32>
        %broadcast_in_dim3A_588 = vector.shape_cast %reduce_max3A_587 : vector<32xf32> to vector<32x1xf32>
        %eq3A_589 = vector.broadcast %broadcast_in_dim3A_588 : vector<32x1xf32> to vector<32x8192xf32>
        %eq3A_590 = arith.cmpf oeq, %select_n3A_585, %eq3A_589 : vector<32x8192xf32>
        %jit3A_591 = arith.constant 2147483647 : i32
        %broadcast_in_dim3A_592 = vector.broadcast %jit3A_591 : i32 to vector<32x8192xi32>
        %select_n3A_593 = arith.select %eq3A_590, %add3A_23, %broadcast_in_dim3A_592 : vector<32x8192xi1>, vector<32x8192xi32>
        %reduce_min3A_594 = arith.constant dense<2147483647> : vector<32xi32>
        %reduce_min3A_595 = vector.multi_reduction <minsi>, %select_n3A_593, %reduce_min3A_594 [1] : vector<32x8192xi32> to vector<32xi32>
        %broadcast_in_dim3A_596 = vector.shape_cast %reduce_min3A_595 : vector<32xi32> to vector<32x1xi32>
        %eq3A_597 = vector.broadcast %broadcast_in_dim3A_596 : vector<32x1xi32> to vector<32x8192xi32>
        %eq3A_598 = arith.cmpi eq, %add3A_23, %eq3A_597 : vector<32x8192xi32>
        %jit3A_599 = arith.constant 0xFF800000 : f32
        %broadcast_in_dim3A_600 = vector.broadcast %jit3A_599 : f32 to vector<32x8192xf32>
        %select_n3A_601 = arith.select %eq3A_598, %broadcast_in_dim3A_600, %select_n3A_585 : vector<32x8192xi1>, vector<32x8192xf32>
        %reduce_max3A_602 = arith.constant dense<0xFF800000> : vector<32xf32>
        %reduce_max3A_603 = vector.multi_reduction <maximumf>, %select_n3A_601, %reduce_max3A_602 [1] : vector<32x8192xf32> to vector<32xf32>
        %broadcast_in_dim3A_604 = vector.shape_cast %reduce_max3A_603 : vector<32xf32> to vector<32x1xf32>
        %eq3A_605 = vector.broadcast %broadcast_in_dim3A_604 : vector<32x1xf32> to vector<32x8192xf32>
        %eq3A_606 = arith.cmpf oeq, %select_n3A_601, %eq3A_605 : vector<32x8192xf32>
        %jit3A_607 = arith.constant 2147483647 : i32
        %broadcast_in_dim3A_608 = vector.broadcast %jit3A_607 : i32 to vector<32x8192xi32>
        %select_n3A_609 = arith.select %eq3A_606, %add3A_23, %broadcast_in_dim3A_608 : vector<32x8192xi1>, vector<32x8192xi32>
        %reduce_min3A_610 = arith.constant dense<2147483647> : vector<32xi32>
        %reduce_min3A_611 = vector.multi_reduction <minsi>, %select_n3A_609, %reduce_min3A_610 [1] : vector<32x8192xi32> to vector<32xi32>
        %broadcast_in_dim3A_612 = vector.shape_cast %reduce_min3A_611 : vector<32xi32> to vector<32x1xi32>
        %get3A_613 = arith.constant 0 : index
        %get3A_614 = arith.constant 0 : index
        %get3A_615 = vector.load %arg7[%get3A_613, %get3A_614] : memref<32x8xf32, #tpu.memory_space<vmem>>, vector<32x8xf32>
        %concatenate3A = tpu.concatenate %get3A_615, %broadcast_in_dim3A_540, %broadcast_in_dim3A_556, %broadcast_in_dim3A_572, %broadcast_in_dim3A_588, %broadcast_in_dim3A_604 in 1 : vector<32x8xf32>, vector<32x1xf32>, vector<32x1xf32>, vector<32x1xf32>, vector<32x1xf32>, vector<32x1xf32> -> vector<32x13xf32>
        %get3A_616 = arith.constant 0 : index
        %get3A_617 = arith.constant 0 : index
        %get3A_618 = vector.load %arg5[%get3A_616, %get3A_617] : memref<32x8xi32, #tpu.memory_space<vmem>>, vector<32x8xi32>
        %concatenate3A_619 = tpu.concatenate %get3A_618, %broadcast_in_dim3A_548, %broadcast_in_dim3A_564, %broadcast_in_dim3A_580, %broadcast_in_dim3A_596, %broadcast_in_dim3A_612 in 1 : vector<32x8xi32>, vector<32x1xi32>, vector<32x1xi32>, vector<32x1xi32>, vector<32x1xi32>, vector<32x1xi32> -> vector<32x13xi32>
        %reduce_max3A_620 = arith.constant dense<0xFF800000> : vector<32xf32>
        %reduce_max3A_621 = vector.multi_reduction <maximumf>, %concatenate3A, %reduce_max3A_620 [1] : vector<32x13xf32> to vector<32xf32>
        %broadcast_in_dim3A_622 = vector.shape_cast %reduce_max3A_621 : vector<32xf32> to vector<32x1xf32>
        %eq3A_623 = vector.broadcast %broadcast_in_dim3A_622 : vector<32x1xf32> to vector<32x13xf32>
        %eq3A_624 = arith.cmpf oeq, %concatenate3A, %eq3A_623 : vector<32x13xf32>
        %jit3A_625 = arith.constant 2147483647 : i32
        %broadcast_in_dim3A_626 = vector.broadcast %jit3A_625 : i32 to vector<32x13xi32>
        %select_n3A_627 = arith.select %eq3A_624, %concatenate3A_619, %broadcast_in_dim3A_626 : vector<32x13xi1>, vector<32x13xi32>
        %reduce_min3A_628 = arith.constant dense<2147483647> : vector<32xi32>
        %reduce_min3A_629 = vector.multi_reduction <minsi>, %select_n3A_627, %reduce_min3A_628 [1] : vector<32x13xi32> to vector<32xi32>
        %broadcast_in_dim3A_630 = vector.shape_cast %reduce_min3A_629 : vector<32xi32> to vector<32x1xi32>
        %eq3A_631 = vector.broadcast %broadcast_in_dim3A_630 : vector<32x1xi32> to vector<32x13xi32>
        %eq3A_632 = arith.cmpi eq, %concatenate3A_619, %eq3A_631 : vector<32x13xi32>
        %jit3A_633 = arith.constant 0xFF800000 : f32
        %broadcast_in_dim3A_634 = vector.broadcast %jit3A_633 : f32 to vector<32x13xf32>
        %select_n3A_635 = arith.select %eq3A_632, %broadcast_in_dim3A_634, %concatenate3A : vector<32x13xi1>, vector<32x13xf32>
        %reduce_max3A_636 = arith.constant dense<0xFF800000> : vector<32xf32>
        %reduce_max3A_637 = vector.multi_reduction <maximumf>, %select_n3A_635, %reduce_max3A_636 [1] : vector<32x13xf32> to vector<32xf32>
        %broadcast_in_dim3A_638 = vector.shape_cast %reduce_max3A_637 : vector<32xf32> to vector<32x1xf32>
        %eq3A_639 = vector.broadcast %broadcast_in_dim3A_638 : vector<32x1xf32> to vector<32x13xf32>
        %eq3A_640 = arith.cmpf oeq, %select_n3A_635, %eq3A_639 : vector<32x13xf32>
        %jit3A_641 = arith.constant 2147483647 : i32
        %broadcast_in_dim3A_642 = vector.broadcast %jit3A_641 : i32 to vector<32x13xi32>
        %select_n3A_643 = arith.select %eq3A_640, %concatenate3A_619, %broadcast_in_dim3A_642 : vector<32x13xi1>, vector<32x13xi32>
        %reduce_min3A_644 = arith.constant dense<2147483647> : vector<32xi32>
        %reduce_min3A_645 = vector.multi_reduction <minsi>, %select_n3A_643, %reduce_min3A_644 [1] : vector<32x13xi32> to vector<32xi32>
        %broadcast_in_dim3A_646 = vector.shape_cast %reduce_min3A_645 : vector<32xi32> to vector<32x1xi32>
        %eq3A_647 = vector.broadcast %broadcast_in_dim3A_646 : vector<32x1xi32> to vector<32x13xi32>
        %eq3A_648 = arith.cmpi eq, %concatenate3A_619, %eq3A_647 : vector<32x13xi32>
        %jit3A_649 = arith.constant 0xFF800000 : f32
        %broadcast_in_dim3A_650 = vector.broadcast %jit3A_649 : f32 to vector<32x13xf32>
        %select_n3A_651 = arith.select %eq3A_648, %broadcast_in_dim3A_650, %select_n3A_635 : vector<32x13xi1>, vector<32x13xf32>
        %reduce_max3A_652 = arith.constant dense<0xFF800000> : vector<32xf32>
        %reduce_max3A_653 = vector.multi_reduction <maximumf>, %select_n3A_651, %reduce_max3A_652 [1] : vector<32x13xf32> to vector<32xf32>
        %broadcast_in_dim3A_654 = vector.shape_cast %reduce_max3A_653 : vector<32xf32> to vector<32x1xf32>
        %eq3A_655 = vector.broadcast %broadcast_in_dim3A_654 : vector<32x1xf32> to vector<32x13xf32>
        %eq3A_656 = arith.cmpf oeq, %select_n3A_651, %eq3A_655 : vector<32x13xf32>
        %jit3A_657 = arith.constant 2147483647 : i32
        %broadcast_in_dim3A_658 = vector.broadcast %jit3A_657 : i32 to vector<32x13xi32>
        %select_n3A_659 = arith.select %eq3A_656, %concatenate3A_619, %broadcast_in_dim3A_658 : vector<32x13xi1>, vector<32x13xi32>
        %reduce_min3A_660 = arith.constant dense<2147483647> : vector<32xi32>
        %reduce_min3A_661 = vector.multi_reduction <minsi>, %select_n3A_659, %reduce_min3A_660 [1] : vector<32x13xi32> to vector<32xi32>
        %broadcast_in_dim3A_662 = vector.shape_cast %reduce_min3A_661 : vector<32xi32> to vector<32x1xi32>
        %eq3A_663 = vector.broadcast %broadcast_in_dim3A_662 : vector<32x1xi32> to vector<32x13xi32>
        %eq3A_664 = arith.cmpi eq, %concatenate3A_619, %eq3A_663 : vector<32x13xi32>
        %jit3A_665 = arith.constant 0xFF800000 : f32
        %broadcast_in_dim3A_666 = vector.broadcast %jit3A_665 : f32 to vector<32x13xf32>
        %select_n3A_667 = arith.select %eq3A_664, %broadcast_in_dim3A_666, %select_n3A_651 : vector<32x13xi1>, vector<32x13xf32>
        %reduce_max3A_668 = arith.constant dense<0xFF800000> : vector<32xf32>
        %reduce_max3A_669 = vector.multi_reduction <maximumf>, %select_n3A_667, %reduce_max3A_668 [1] : vector<32x13xf32> to vector<32xf32>
        %broadcast_in_dim3A_670 = vector.shape_cast %reduce_max3A_669 : vector<32xf32> to vector<32x1xf32>
        %eq3A_671 = vector.broadcast %broadcast_in_dim3A_670 : vector<32x1xf32> to vector<32x13xf32>
        %eq3A_672 = arith.cmpf oeq, %select_n3A_667, %eq3A_671 : vector<32x13xf32>
        %jit3A_673 = arith.constant 2147483647 : i32
        %broadcast_in_dim3A_674 = vector.broadcast %jit3A_673 : i32 to vector<32x13xi32>
        %select_n3A_675 = arith.select %eq3A_672, %concatenate3A_619, %broadcast_in_dim3A_674 : vector<32x13xi1>, vector<32x13xi32>
        %reduce_min3A_676 = arith.constant dense<2147483647> : vector<32xi32>
        %reduce_min3A_677 = vector.multi_reduction <minsi>, %select_n3A_675, %reduce_min3A_676 [1] : vector<32x13xi32> to vector<32xi32>
        %broadcast_in_dim3A_678 = vector.shape_cast %reduce_min3A_677 : vector<32xi32> to vector<32x1xi32>
        %eq3A_679 = vector.broadcast %broadcast_in_dim3A_678 : vector<32x1xi32> to vector<32x13xi32>
        %eq3A_680 = arith.cmpi eq, %concatenate3A_619, %eq3A_679 : vector<32x13xi32>
        %jit3A_681 = arith.constant 0xFF800000 : f32
        %broadcast_in_dim3A_682 = vector.broadcast %jit3A_681 : f32 to vector<32x13xf32>
        %select_n3A_683 = arith.select %eq3A_680, %broadcast_in_dim3A_682, %select_n3A_667 : vector<32x13xi1>, vector<32x13xf32>
        %reduce_max3A_684 = arith.constant dense<0xFF800000> : vector<32xf32>
        %reduce_max3A_685 = vector.multi_reduction <maximumf>, %select_n3A_683, %reduce_max3A_684 [1] : vector<32x13xf32> to vector<32xf32>
        %broadcast_in_dim3A_686 = vector.shape_cast %reduce_max3A_685 : vector<32xf32> to vector<32x1xf32>
        %eq3A_687 = vector.broadcast %broadcast_in_dim3A_686 : vector<32x1xf32> to vector<32x13xf32>
        %eq3A_688 = arith.cmpf oeq, %select_n3A_683, %eq3A_687 : vector<32x13xf32>
        %jit3A_689 = arith.constant 2147483647 : i32
        %broadcast_in_dim3A_690 = vector.broadcast %jit3A_689 : i32 to vector<32x13xi32>
        %select_n3A_691 = arith.select %eq3A_688, %concatenate3A_619, %broadcast_in_dim3A_690 : vector<32x13xi1>, vector<32x13xi32>
        %reduce_min3A_692 = arith.constant dense<2147483647> : vector<32xi32>
        %reduce_min3A_693 = vector.multi_reduction <minsi>, %select_n3A_691, %reduce_min3A_692 [1] : vector<32x13xi32> to vector<32xi32>
        %broadcast_in_dim3A_694 = vector.shape_cast %reduce_min3A_693 : vector<32xi32> to vector<32x1xi32>
        %broadcast_in_dim3A_695 = arith.constant 0xFF800000 : f32
        %broadcast_in_dim3A_696 = vector.broadcast %broadcast_in_dim3A_695 : f32 to vector<32x3xf32>
        %broadcast_in_dim3A_697 = arith.constant 0 : i32
        %broadcast_in_dim3A_698 = vector.broadcast %broadcast_in_dim3A_697 : i32 to vector<32x3xi32>
        %concatenate3A_699 = tpu.concatenate %broadcast_in_dim3A_622, %broadcast_in_dim3A_638, %broadcast_in_dim3A_654, %broadcast_in_dim3A_670, %broadcast_in_dim3A_686, %broadcast_in_dim3A_696 in 1 : vector<32x1xf32>, vector<32x1xf32>, vector<32x1xf32>, vector<32x1xf32>, vector<32x1xf32>, vector<32x3xf32> -> vector<32x8xf32>
        %swap3A_700 = arith.constant 0 : index
        %swap3A_701 = arith.constant 0 : index
        %swap3A_702 = vector.load %arg7[%swap3A_700, %swap3A_701] : memref<32x8xf32, #tpu.memory_space<vmem>>, vector<32x8xf32>
        tpu.vector_store %arg7[%swap3A_700, %swap3A_701], %concatenate3A_699 {strides = array<i32>} : memref<32x8xf32, #tpu.memory_space<vmem>>, vector<32x8xf32>,
        %concatenate3A_703 = tpu.concatenate %broadcast_in_dim3A_630, %broadcast_in_dim3A_646, %broadcast_in_dim3A_662, %broadcast_in_dim3A_678, %broadcast_in_dim3A_694, %broadcast_in_dim3A_698 in 1 : vector<32x1xi32>, vector<32x1xi32>, vector<32x1xi32>, vector<32x1xi32>, vector<32x1xi32>, vector<32x3xi32> -> vector<32x8xi32>
        %swap3A_704 = arith.constant 0 : index
        %swap3A_705 = arith.constant 0 : index
        %swap3A_706 = vector.load %arg5[%swap3A_704, %swap3A_705] : memref<32x8xi32, #tpu.memory_space<vmem>>, vector<32x8xi32>
        tpu.vector_store %arg5[%swap3A_704, %swap3A_705], %concatenate3A_703 {strides = array<i32>} : memref<32x8xi32, #tpu.memory_space<vmem>>, vector<32x8xi32>,
        %swap3A_707 = arith.constant 0 : index
        %swap3A_708 = arith.constant 0 : index
        %swap3A_709 = vector.load %arg6[%swap3A_707, %swap3A_708] : memref<32x1xf32, #tpu.memory_space<vmem>>, vector<32x1xf32>
        tpu.vector_store %arg6[%swap3A_707, %swap3A_708], %broadcast_in_dim3A_686 {strides = array<i32>} : memref<32x1xf32, #tpu.memory_space<vmem>>, vector<32x1xf32>,
      } else {
      }
    } else {
    }
    return
  }
  func.func @transform_0(%arg0: i32) -> (i32, i32) {
    %c0_i32 = arith.constant 0 : i32
    %c0_i32_0 = arith.constant 0 : i32
    %c0_i32_1 = arith.constant 0 : i32
    return %c0_i32, %c0_i32_0 : i32, i32
  }
  func.func @transform_1(%arg0: i32) -> (i32, i32) {
    %c0_i32 = arith.constant 0 : i32
    %c0_i32_0 = arith.constant 0 : i32
    %c0_i32_1 = arith.constant 0 : i32
    return %c0_i32, %c0_i32_0 : i32, i32
  }
  func.func @transform_2(%arg0: i32) -> (i32, i32) {
    %c0_i32 = arith.constant 0 : i32
    %c0_i32_0 = arith.constant 0 : i32
    return %arg0, %c0_i32 : i32, i32
  }
  func.func @transform_3(%arg0: i32) -> (i32, i32) {
    %c0_i32 = arith.constant 0 : i32
    %c0_i32_0 = arith.constant 0 : i32
    return %c0_i32, %arg0 : i32, i32
  }
  func.func @transform_4(%arg0: i32) -> (i32, i32) {
    %c0_i32 = arith.constant 0 : i32
    %c0_i32_0 = arith.constant 0 : i32
    %c0_i32_1 = arith.constant 0 : i32
    return %c0_i32, %c0_i32_0 : i32, i32
  }
}

</mosaic_0001>

<sc_bundles>
// kernel: kernel.4.cloned.1.call-start
scs
__scs_entry_jumppad:
0x0: {  	(pc) =	sbr.rel $0x88, $3  }
0x1: {  	(tag) =	ssettag $0x0;
	lr =	simm.s32 $0x1  }
0x2: {  	[smem:$0x3F9F] =	sst lr;
	_ =	strace $0xD0000000  }
0x3: {  	_ = 	snop  }
0x4: {  	_ = 	snop  }
0x5: {  	_ = 	snop  }
0x6: {  	_ = 	snop  }
0x7: {  	_ = 	snop  }
__scs_overlays_trampoline_lowered:
0x8: {  	[smem:$0x3FAE] =	sst s0  }
0x9: {  	[smem:$0x3FAF] =	sst s1  }
0xa: {  	[smem:$0x3FB0] =	sst s2  }
0xb: {  	[smem:$0x3FB1] =	sst s3  }
0xc: {  	[smem:$0x3FB2] =	sst s4  }
0xd: {  	[smem:$0x3FB3] =	sst s5  }
0xe: {  	[smem:$0x3FB4] =	sst s6  }
0xf: {  	[smem:$0x3FB5] =	sst s7  }
0x10: {  	[smem:$0x3FB6] =	sst s8  }
0x11: {  	[smem:$0x3FB7] =	sst s9;
	s0 =	simm.s32 @!p0 $0x0  }
0x12: {  	s1 =	sld [smem:$0x3F9D];
	s0 =	simm.s32 @p0 $0x1  }
0x13: {  	[smem:$0x3FB8] =	sst s0;
	s0 =	simm.s32 @!p1 $0x0  }
0x14: {  	s2 =	sld [smem:$0x3F9C];
	s0 =	simm.s32 @p1 $0x1  }
0x15: {  	[smem:$0x3FB9] =	sst s0;
	s0 =	simm.s32 @!p2 $0x0  }
0x16: {  	s3 =	sld [smem:$0x3FDB];
	s0 =	simm.s32 @p2 $0x1  }
0x17: {  	s4 =	simm.s32 $0x1BF5;
	[smem:$0x3FBB] =	sst s0  }
0x18: {  	s0 =	sld [smem:$0x3F9E];
	_ =	swait.ge [sflag:s4], $0x0  }
0x19: {  	s7 =	sld [smem:$0x3F9F]  }
0x1a: {  	s8 =	sadd.s32 $0xFFFFE003, lr  }
0x1b: {  	s9 =	sadd.s32 $0xFFFFFEF7, lr;
	s5 =	simm.s32 $0xFFFFFFFF;
	p2 =	slt.u32 s8, $0xFFFFF086  }
0x1c: {  	p1 =	slt.u32 s9, $0xF7A;
	s5 =	simm.s32 @!p2 $0x0  }
0x1d: {  	s5 =	simm.s32 @p1 $0x1;
	p0 =	seq.s32 s7, s2  }
0x1e: {  	s7 =	smul.u32 @!p0 $0xF7A, s2;
	p2 =	seq.s32 @!p0 s5, $0x0  }
0x1f: {  	s9 =	smul.u32 $0xF7A, s1;
	s8 =	simm.s32 @!p0 $0x1BF5;
	p2 =	por !p2, p0  }
0x20: {  	[sflag:s8] =	ssyncset.s32 @!p0 $0xFFFFF086;
	s6 =	sadd.s32 @!p0 s3, s7;
	s7 =	simm.s32 @!p0 $0x108  }
0x21: {  	s3 =	sadd.s32 s3, s9;
	s6 =	sadd.s32 @!p0 $0x88, s6;
	s7 =	simm.s32 @p2 $0x1082  }
0x22: {  	[simem:s7], [sflag:s8] =	dma.local @!p0 [hbm:s6], $0xF7A  }
0x23: {  	s9 =	sor.u32 $0xD0000000, s2;
	s6 =	simm.s32 $0x108;
	_ =	swait.ge @!p0 [sflag:s8], $0x0  }
0x24: {  	s3 =	sadd.s32 $0x88, s3;
	s6 =	simm.s32 @!p1 $0x1082;
	[sflag:s4] =	ssyncset.s32 $0xFFFFF086  }
0x25: {  	[simem:s6], [sflag:s4] =	dma.local [hbm:s3], $0xF7A  }
0x26: {  	[smem:$0x3F9F] =	sst s1;
	(tag) =	ssettag s2;
	_ =	strace s9  }
0x27: {  	s1 =	sld [smem:$0x3FAF]  }
0x28: {  	s2 =	sld [smem:$0x3FB0]  }
0x29: {  	s4 =	sld [smem:$0x3FB2]  }
0x2a: {  	p0 =	seq.s32 s5, $0x0;
	s5 =	sld [smem:$0x3FB3]  }
0x2b: {  	s6 =	sld [smem:$0x3FB4]  }
0x2c: {  	s7 =	sld [smem:$0x3FB5]  }
0x2d: {  	s3 =	simm.s32 $0x108;
	s8 =	sld [smem:$0x3FB6]  }
0x2e: {  	s3 =	simm.s32 @!p0 $0x1082;
	s9 =	sld [smem:$0x3FB7]  }
0x2f: {  	lr =	sadd.s32 s0, s3;
	s0 =	sld [smem:$0x3FAE]  }
0x30: {  	s3 =	sld [smem:$0x3FB1]  }
0x31: {  	[smem:$0x3FBA] =	sst s10  }
0x32: {  	s10 =	sld [smem:$0x3FB8];
	_ =	sdelay $0x3  }
0x33: {  	p0 =	seq.s32 s10, $0x1;
	s10 =	sld [smem:$0x3FBA];
	_ =	sdelay $0x3  }
0x34: {  	[smem:$0x3FBA] =	sst s10  }
0x35: {  	s10 =	sld [smem:$0x3FB9];
	_ =	sdelay $0x3  }
0x36: {  	p1 =	seq.s32 s10, $0x1;
	s10 =	sld [smem:$0x3FBA];
	_ =	sdelay $0x3  }
0x37: {  	[smem:$0x3FBA] =	sst s10  }
0x38: {  	s10 =	sld [smem:$0x3FBB]  }
0x39: {  	_ = 	snop;
	(pc) =	sbr.ind lr, $3  }
0x3a: {  	_ = 	snop  }
0x3b: {  	_ = 	snop  }
0x3c: {  	p2 =	seq.s32 s10, $0x1;
	s10 =	sld [smem:$0x3FBA]  }
0x3d: {  	_ =	shalt  }
0x3e: {  	_ =	shalt  }
0x3f: {  	_ =	shalt  }
0x40: {  	_ =	shalt  }
0x41: {  	_ =	shalt  }
0x42: {  	_ =	shalt  }
0x43: {  	_ =	shalt  }
0x44: {  	_ =	shalt  }
0x45: {  	_ =	shalt  }
0x46: {  	_ =	shalt  }
0x47: {  	_ =	shalt  }
0x48: {  	_ =	shalt  }
0x49: {  	_ =	shalt  }
0x4a: {  	_ =	shalt  }
0x4b: {  	_ =	shalt  }
0x4c: {  	_ =	shalt  }
0x4d: {  	_ =	shalt  }
0x4e: {  	_ =	shalt  }
0x4f: {  	_ =	shalt  }
0x50: {  	_ =	shalt  }
0x51: {  	_ =	shalt  }
0x52: {  	_ =	shalt  }
0x53: {  	_ =	shalt  }
0x54: {  	_ =	shalt  }
0x55: {  	_ =	shalt  }
0x56: {  	_ =	shalt  }
0x57: {  	_ =	shalt  }
0x58: {  	_ =	shalt  }
0x59: {  	_ =	shalt  }
0x5a: {  	_ =	shalt  }
0x5b: {  	_ =	shalt  }
0x5c: {  	_ =	shalt  }
0x5d: {  	_ =	shalt  }
0x5e: {  	_ =	shalt  }
0x5f: {  	_ =	shalt  }
0x60: {  	_ =	shalt  }
0x61: {  	_ =	shalt  }
0x62: {  	_ =	shalt  }
0x63: {  	_ =	shalt  }
0x64: {  	_ =	shalt  }
0x65: {  	_ =	shalt  }
0x66: {  	_ =	shalt  }
0x67: {  	_ =	shalt  }
0x68: {  	_ =	shalt  }
0x69: {  	_ =	shalt  }
0x6a: {  	_ =	shalt  }
0x6b: {  	_ =	shalt  }
0x6c: {  	_ =	shalt  }
0x6d: {  	_ =	shalt  }
0x6e: {  	_ =	shalt  }
0x6f: {  	_ =	shalt  }
0x70: {  	_ =	shalt  }
0x71: {  	_ =	shalt  }
0x72: {  	_ =	shalt  }
0x73: {  	_ =	shalt  }
0x74: {  	_ =	shalt  }
0x75: {  	_ =	shalt  }
0x76: {  	_ =	shalt  }
0x77: {  	_ =	shalt  }
0x78: {  	_ =	shalt  }
0x79: {  	_ =	shalt  }
0x7a: {  	_ =	shalt  }
0x7b: {  	_ =	shalt  }
0x7c: {  	_ =	shalt  }
0x7d: {  	_ =	shalt  }
0x7e: {  	_ =	shalt  }
0x7f: {  	_ =	shalt  }
0x80: {  	_ =	shalt  }
0x81: {  	_ =	shalt  }
0x82: {  	_ =	shalt  }
0x83: {  	_ =	shalt  }
0x84: {  	_ =	shalt  }
0x85: {  	_ =	shalt  }
0x86: {  	_ =	shalt  }
0x87: {  	_ =	shalt  }
.Lfunc_end0:
.L_simem_size_0:
called_computation_lowered:
.L_overlay_start_0:
0x88: {  	s2 =	sld [smem:$0x3FD9]  }
0x89: {  	s3 =	sld [smem:$0x3FFE];
	_ =	sdelay $0x1  }
0x8a: {  	s1 =	srdreg.scid  }
0x8b: {  	s0 =	sand.u32 $0x1, s1  }
0x8c: {  	s16 =	sshll.u32 s0, $0xA;
	s2 =	sadd.s32 s3, s2  }
0x8d: {  	s2 =	sadd.s32 s2, s16  }
0x8e: {  	[smem:$0x3FC6] =	sst s2  }
0x8f: {  	_ = 	snop  }
0x90: {  	(tm) =	ssettm $0x1  }
0x91: {  	s17 =	sld [smem:$0x3FFB];
	_ =	sdelay $0x3  }
0x92: {  	_ =	strace s17  }
0x93: {  	s2 =	sld [smem:$0x3FFC];
	_ =	sdelay $0x3  }
0x94: {  	_ =	strace s2  }
0x95: {  	s2 =	sld [smem:$0x3FFD];
	_ =	sdelay $0x3  }
0x96: {  	_ =	strace s2  }
0x97: {  	_ =	strace $0x8FFFFFFF  }
0x98: {  	s18 =	sld [smem:$0x3FDB];
	_ =	sdelay $0x1  }
0x99: {  	s19 =	simm.s32 $_scs_section_size  }
0x9a: {  	s4 =	simm.s32 $_size__tile_overlayer_lowered;
	s5 =	simm.s32 $_tile_overlayer_lowered  }
0x9b: {  	s22 =	simm.s32 $0x1BFF;
	s21 =	sshll.u32 s5, $0x1;
	s2 =	sadd.s32 s19, s18  }
0x9c: {  	s6 =	simm.s32 $0x0;
	s20 =	sshll.u32 s4, $0x1;
	s4 =	sadd.s32 s21, s2  }
0x9d: {  	[timem:s6], [sflag:s22] =	dma.local [hbm:s4], s20  }
0x9e: {  	_ =	swait.ge [sflag:s22], s20  }
0x9f: {  	s3 =	ssub.s32 $0x0, s20;
	[sflag:s22] =	ssyncset.done $0x0  }
0xa0: {  	[sflag:s22] =	ssyncadd.s32 s3;
	_ =	sdelay $0x1  }
0xa1: {  	s23 =	simm.s32 $0x1B8B  }
0xa2: {  	_ =	swait.ge [sflag:s23], $0x1  }
0xa3: {  	[sflag:s23] =	ssyncset.done $0x0  }
0xa4: {  	s25 =	simm.s32 $0x1B8E;
	s24 =	sld [smem:$0x3FFE];
	[sflag:s23] =	ssyncadd.s32 $0xFFFFFFFF  }
0xa5: {  	s26 =	simm.s32 $execute0_lowered;
	[smem:$0x3FD2] =	sst s25  }
0xa6: {  	s4 =	sshll.u32 s26, $0x1;
	_ =	strace $0x80000046;
	[dreg:$0x1] =	wrdreg $0xFFFFFFFF  }
0xa7: {  	s28 =	simm.s32 $_size_execute0_lowered;
	s2 =	sadd.s32 s2, s4;
	[dreg:$0x0] =	wrdreg $0x0  }
0xa8: {  	s4 =	sshll.u32 s28, $0x1;
	[dreg:$0x2] =	wrdreg s2  }
0xa9: {  	[dreg:$0x3] =	wrdreg s4  }
0xaa: {  	[dreg:$0x4] =	wrdreg $0xC0  }
0xab: {  	_ =	task [dreg:s6], $0x5FFFF  }
0xac: {  	[dreg:$0x1] =	wrdreg $0xFFFFFFFF  }
0xad: {  	[dreg:$0x0] =	wrdreg $0x60  }
0xae: {  	[dreg:$0x2] =	wrdreg s24  }
0xaf: {  	[dreg:$0x3] =	wrdreg $0x9  }
0xb0: {  	_ =	task.clear_ibuf [dreg:s6], $0x4FFFF;
	_ =	strace $0x90000046  }
0xb1: {  	s29 =	simm.s32 $0x9;
	_ =	strace $0x80000048  }
0xb2: {  	_ =	swait.ge [sflag:s29], $0x1  }
0xb3: {  	[sflag:s29] =	ssyncadd.s32 $0xFFFFFFFF  }
0xb4: {  	_ =	strace $0x90000048  }
0xb5: {  	_ =	sfence  }
0xb6: {  	s30 =	sld [smem:$0x0];
	_ =	sdelay $0x2  }
0xb7: {  	s31 =	sshll.u32 s1, $0xD;
	s1 =	sshrl.u32 s1, $0x2  }
0xb8: {  	s3 =	sand.u32 $0x4000, s31;
	s1 =	sadd.s32 s1, s30  }
0xb9: {  	s0 =	sor.u32 s3, s0;
	s1 =	sshll.u32 s1, $0x11  }
0xba: {  	s0 =	sor.u32 s1, s0  }
0xbb: {  	s0 =	sadd.s32 $0x8F2B, s0  }
0xbc: {  	[sflag:s0] =	ssyncadd.remote.s32 $0x1  }
0xbd: {  	_ =	sfence.sel $0xFFFF  }
0xbe: {  	[dreg:$0x0] =	wrdreg $0xFFFFFFFF;
	(pc) =	sbr.abs _section_cstart, $3  }
0xbf: {  	[dreg:$0x1] =	wrdreg $0xFFFFFFFF  }
0xc0: {  	_ =	task.clear_ibuf [dreg:s6], $0x2FFFF;
	_ =	strace $0x9FFFFFFF  }
0xc1: {  	(tm) =	ssettm $0x7FFFFFFF  }
tec
execute0_lowered:
.L_overlay_start_1:
0x0: {  	(tag) =	ssettag $0x1  }
0x1: {  	s1 =	srdreg.scid  }
0x2: {  	s0 =	stileid.u32;
	s9 =	rddreg [dreg:$0x0];
	s6 =	sand.u32 $0x1, s1  }
0x3: {  	s7 =	simm.s32 $0x80;
	s30 =	sshll.u32 s0, $0x4;
	s2 =	sshll.u32 s6, $0x3  }
0x4: {  	s8 =	simm.s32 $0x1;
	s1 =	rddreg [dreg:$0x1];
	s10 =	sor.u32 s2, s30  }
0x5: {  	s5 =	sadd.s32 $0xF42800, s9;
	s2 =	simm.s32 $0x0;
	s3 =	sshrl.u32 s10, $0x3  }
0x6: {  	s11 =	ssub.s32 $0x2, s6;
	[smem:$0x7FF] =	sst s2;
	s3 =	sadd.s32 s3, s9  }
0x7: {  	_ =	strace $0x80000047;
	s4 =	sadd.s32 $0x400, s3;
	s3 =	simm.s32 $0x2  }
0x8: {  	[tilespmem:s2], [sflag:$0x2] =	stream.linear.gather [hbm4b:s4+s2], $0x8, $0x38;
	[tilespmem:$0x480] =	vst v63  }
0x9: {  	s6 =	simm.s32 $0x8;
	s12 =	sshrl.u32 s11, $0x1;
	_ =	swait.ge [sflag:s3], $0x8  }
0xa: {  	s10 =	sshll.u32 s10, $0x4;
	s31 =	ssub.s32 s11, s12;
	[sflag:s3] =	ssyncset.done $0x0  }
0xb: {  	s9 =	sadd.s32 s10, s9;
	s10 =	smax.u32 s31, $0x1;
	[sflag:s3] =	ssyncadd.s32 $0xFFFFFFF8  }
0xc: {  	[tilespmem:s7], [sflag:$0x1] =	stream.indirect.gather [hbm4b:s5+s6], $0x80, s2, s6, $0xb8;
	[tilespmem:$0x480] =	vst v63  }
0xd: {  	p0 =	sne.s32 s10, $0x1;
	_ =	swait.ge [sflag:s8], $0x400  }
.Ltmp0:
0xe: {  	[sflag:s8] =	ssyncset.done $0x0;
	(pc) =	sbr.rel @!p0 .LBB2_2-.Ltmp0, $4  }
0xf: {  	s9 =	sadd.s32 $0x600, s9;
	[sflag:s8] =	ssyncadd.s32 $0xFFFFFC00  }
0x10: {  	[hbm4b:s9+s2] =	stream.linear.scatter [tilespmem:s7], [sflag:$0x2], $0x400, $0x38;
	[tilespmem:$0x480] =	vst v63  }
0x11: {  	_ =	swait.ge [sflag:s3], $0x400  }
0x12: {  	s10 =	sadd.s32 $0xFFFFFFFF, s10;
	[sflag:s3] =	ssyncset.done $0x0  }
.LBB2_1:
0x13: {  	p0 =	sne.s32 s10, $0x1;
	s10 =	sadd.s32 $0xFFFFFFFF, s10;
	[sflag:s3] =	ssyncadd.s32 $0xFFFFFC00  }
0x14: {  	[tilespmem:s2], [sflag:$0x2] =	stream.linear.gather [hbm4b:s4+s2], $0x8, $0x38;
	[tilespmem:$0x480] =	vst v63  }
0x15: {  	_ =	swait.ge [sflag:s3], $0x8  }
0x16: {  	[sflag:s3] =	ssyncset.done $0x0  }
0x17: {  	[sflag:s3] =	ssyncadd.s32 $0xFFFFFFF8  }
0x18: {  	[tilespmem:s7], [sflag:$0x1] =	stream.indirect.gather [hbm4b:s5+s6], $0x80, s2, s6, $0xb8;
	[tilespmem:$0x480] =	vst v63  }
0x19: {  	_ =	swait.ge [sflag:s8], $0x400  }
.Ltmp1:
0x1a: {  	[sflag:s8] =	ssyncset.done $0x0;
	(pc) =	sbr.rel @p0 .LBB2_1-.Ltmp1, $4  }
0x1b: {  	[sflag:s8] =	ssyncadd.s32 $0xFFFFFC00  }
0x1c: {  	[hbm4b:s9+s2] =	stream.linear.scatter [tilespmem:s7], [sflag:$0x2], $0x400, $0x38;
	[tilespmem:$0x480] =	vst v63  }
0x1d: {  	_ =	swait.ge [sflag:s3], $0x400  }
0x1e: {  	[sflag:s3] =	ssyncset.done $0x0  }
.LBB2_2:
0x1f: {  	[sflag:s3] =	ssyncadd.s32 $0xFFFFFC00  }
0x20: {  	_ =	sfence.sel $0x180000  }
0x21: {  	[bflag:$0x0] =	sbarrier.arrive $0xFFFF  }
0x22: {  	p0 =	sne.s32 s0, $0x0;
	_ =	strace $0x90000047  }
0x23: {  	s0 =	sadd.s32 @!p0 $0x100000, s1;
	[bflag:$0x2] =	sbarrier.arrive $0xFFFF  }
0x24: {  	[sflag:s0] =	ssyncadd.tile.s32 @!p0 $0x1;
	_ =	shalt  }
.Lfunc_end2:
_tile_overlayer_lowered:
.L_overlay_start_2:
0x25: {  	(tag) =	ssettag $0x2  }
0x26: {  	s0 =	rddreg [dreg:$0x0];
	s2 =	stileid.u32  }
0x27: {  	s1 =	rddreg [dreg:$0x1];
	p0 =	sne.s32 s2, $0x0  }
0x28: {  	s3 =	rddreg [dreg:$0x2];
	[bflag:$0x3] =	sbarrier.arrive $0xFFFF;
	s2 =	simm.s32 @!p0 $0x1C02  }
0x29: {  	[timem:s3], [sflag:s2] =	dma.local @!p0 [hbm:s0], s1  }
0x2a: {  	s0 =	simm.s32 @!p0 $0x2  }
0x2b: {  	_ =	swait.ge @!p0 [sflag:s0], s1  }
0x2c: {  	s1 =	ssub.s32 @!p0 $0x0, s1;
	[sflag:s0] =	ssyncset.done @!p0 $0x0  }
0x2d: {  	[sflag:s0] =	ssyncadd.s32 @!p0 s1  }
0x2e: {  	[bflag:$0x3] =	sbarrier.arrive $0xFFFF  }
0x2f: {  	_ =	shalt  }

</sc_bundles>
